<compile_context>
chip_gen: v7x
topology: tpu7x:2x2x1
jax: 0.10.2.dev20260603
libtpu: 0.0.44.dev20260713+nightly
codegen_flags: <defaults>
</compile_context>

<pallas_src>
import jax
import jax.numpy as jnp
from jax import lax
from jax.experimental import pallas as pl
from jax.experimental.pallas import tpu as pltpu
from jax.experimental.pallas import tpu_sc as plsc

NUM_NODES_C = 100000
NUM_PINS_C = 1600000
NC = 2
NS = 16
NW = NC * NS
NPT = NUM_NODES_C // NW
OF_LEN = 3152
OUT_STRIDE = 3136
NGRP = OUT_STRIDE // 16
CHUNK = 4096
GB = 4096
KG = CHUNK // GB
BIG = 0x7FFFFFFF
START_PAD = 100024
FLAT_PAD = NUM_PINS_C + CHUNK + 16
MAP_SLICE = NUM_PINS_C // NS
MAP_STAGE = 4000


def _body(start_hbm, flat_hbm, map_hbm, out_hbm, offs_v, pins0_v, vals0_v,
          pins1_v, vals1_v, outb_v, map_sp, semp0, semg0, semp1, semg1):
    wid = lax.axis_index("c") * NS + lax.axis_index("s")
    n0 = wid * NPT
    a0 = (n0 // 8) * 8
    sh = n0 - a0
    sid = lax.axis_index("s")

    def preload_step(k, _):
        off = sid * MAP_SLICE + k * MAP_STAGE
        pltpu.sync_copy(map_hbm.at[pl.ds(off, MAP_STAGE)],
                        pins0_v.at[pl.ds(0, MAP_STAGE)])
        pltpu.sync_copy(pins0_v.at[pl.ds(0, MAP_STAGE)],
                        map_sp.at[pl.ds(off, MAP_STAGE)])
        return 0

    lax.fori_loop(0, MAP_SLICE // MAP_STAGE, preload_step, 0)
    pltpu.sync_copy(start_hbm.at[pl.ds(a0, OF_LEN)], offs_v)
    plsc.subcore_barrier()

    def _sread(i):
        return offs_v[pl.ds(i, 16)][0]

    s0 = _sread(sh)
    s1 = _sread(sh + NPT)
    cb0 = (s0 // 8) * 8
    nchunks = jnp.maximum(1, (s1 - cb0 + CHUNK - 1) // CHUNK)
    npairs = (nchunks + 1) // 2

    bigv = jnp.full((16,), BIG, jnp.int32)

    def chunk_base(ci):
        return jnp.minimum(cb0 + ci * CHUNK, FLAT_PAD - CHUNK)

    def issue_pins(ci, pins_v, sem):
        pltpu.async_copy(flat_hbm.at[pl.ds(chunk_base(ci), CHUNK)],
                         pins_v.at[pl.ds(0, CHUNK)], sem)

    def drain(buf_v, sem):
        pltpu.make_async_copy(flat_hbm.at[pl.ds(0, CHUNK)],
                              buf_v.at[pl.ds(0, CHUNK)], sem).wait()

    def issue_gathers(pins_v, vals_v, sem):
        for g in range(KG):
            pltpu.async_copy(map_sp.at[pins_v.at[pl.ds(g * GB, GB)]],
                             vals_v.at[pl.ds(g * GB, GB)], sem)

    def group_bounds(grp):
        na = offs_v[pl.ds(sh + grp * 16, 16)]
        ne = offs_v[pl.ds(sh + grp * 16 + 1, 16)]
        return jnp.minimum(na, s1), jnp.minimum(ne, s1)

    def process(ci, st, pins_v, vals_v):
        grp, cval, cpin = st
        cb = cb0 + ci * CHUNK
        ce = jnp.minimum(cb + CHUNK, s1)

        def fold_group(lo, hi, av, ap):
            tmax = jnp.max(jnp.maximum(hi - lo, 0))

            def tstep(t, fst):
                av, ap = fst
                idxg = lo + t
                m = idxg < hi
                idxl = jnp.where(m, idxg - cb, 0)
                v = plsc.load_gather(vals_v, [idxl])
                p = plsc.load_gather(pins_v, [idxl])
                v = jnp.where(m, v, BIG)
                upd = v < av
                return (jnp.where(upd, v, av), jnp.where(upd, p, ap))

            return lax.fori_loop(0, tmax, tstep, (av, ap))

        def gcond(gst):
            grp = gst[0]
            ge = jnp.minimum(_sread(sh + jnp.minimum(grp + 1, NGRP) * 16), s1)
            return (grp < NGRP) & (ge <= ce)

        def gbody(gst):
            grp, av, ap = gst
            na, ne = group_bounds(grp)
            lo = jnp.maximum(na, cb)
            av, ap = fold_group(lo, ne, av, ap)
            res = jnp.where(ne > na, ap, 0)
            outb_v[pl.ds(grp * 16, 16)] = res
            return (grp + 1, bigv, bigv)

        grp, cval, cpin = lax.while_loop(gcond, gbody, (grp, cval, cpin))

        na, ne = group_bounds(jnp.minimum(grp, NGRP - 1))
        live = grp < NGRP
        lo = jnp.maximum(na, cb)
        hi = jnp.where(live, jnp.minimum(ne, ce), lo)
        cval, cpin = fold_group(lo, hi, cval, cpin)
        return (grp, cval, cpin)

    issue_pins(0, pins0_v, semp0)
    drain(pins0_v, semp0)
    issue_gathers(pins0_v, vals0_v, semg0)
    issue_pins(1, pins1_v, semp1)

    def pair_step(i, st):
        c0 = 2 * i
        drain(pins1_v, semp1)
        issue_gathers(pins1_v, vals1_v, semg1)
        drain(vals0_v, semg0)
        st = process(c0, st, pins0_v, vals0_v)
        issue_pins(c0 + 2, pins0_v, semp0)
        drain(pins0_v, semp0)
        issue_gathers(pins0_v, vals0_v, semg0)
        drain(vals1_v, semg1)
        st = process(c0 + 1, st, pins1_v, vals1_v)
        issue_pins(c0 + 3, pins1_v, semp1)
        return st

    lax.fori_loop(0, npairs, pair_step, (jnp.int32(0), bigv, bigv))
    drain(vals0_v, semg0)
    drain(pins1_v, semp1)
    pltpu.sync_copy(outb_v, out_hbm.at[pl.ds(wid * OUT_STRIDE, OUT_STRIDE)])


@jax.jit
def kernel(flat_node2pin_start, flat_node2pin, sorted_pin_map):
    num_nodes = flat_node2pin_start.shape[0] - 1
    start_p = jnp.pad(flat_node2pin_start,
                      (0, START_PAD - flat_node2pin_start.shape[0]),
                      mode="edge")
    flat_p = jnp.pad(flat_node2pin, (0, FLAT_PAD - NUM_PINS_C))

    mesh = plsc.VectorSubcoreMesh(core_axis_name="c", subcore_axis_name="s")
    run = pl.kernel(
        _body,
        out_type=jax.ShapeDtypeStruct((NW * OUT_STRIDE,), jnp.int32),
        mesh=mesh,
        compiler_params=pltpu.CompilerParams(needs_layout_passes=False),
        scratch_types=[
            pltpu.VMEM((OF_LEN,), jnp.int32),
            pltpu.VMEM((CHUNK + 16,), jnp.int32),
            pltpu.VMEM((CHUNK + 16,), jnp.int32),
            pltpu.VMEM((CHUNK + 16,), jnp.int32),
            pltpu.VMEM((CHUNK + 16,), jnp.int32),
            pltpu.VMEM((OUT_STRIDE,), jnp.int32),
            pltpu.VMEM_SHARED((NUM_PINS_C,), jnp.int32),
            pltpu.SemaphoreType.DMA,
            pltpu.SemaphoreType.DMA,
            pltpu.SemaphoreType.DMA,
            pltpu.SemaphoreType.DMA,
        ],
    )
    out_raw = run(start_p, flat_p, sorted_pin_map)
    return out_raw.reshape(NW, OUT_STRIDE)[:, :NPT].reshape(-1)[:num_nodes]

# --- scband reference (transcript-rebuilt; emitter-appended) ---
"""Pipeline reference for scband-sort-node2-pin-24764781429525 (READ-ONLY COPY).

The authoritative reference and input builder live on the scoring server;
editing this copy changes nothing except your own understanding.
"""

import jax, jax.numpy as jnp
import numpy as np

NUM_NODES = 100000
NUM_PINS = 1600000

def setup_inputs(seed: int = 0) -> dict:
    key = jax.random.key(seed)
    k1, k2, k3 = jax.random.split(key, 3)
    # CSR offsets: nondecreasing int32[num_nodes+1], start=0, end=num_pins
    start = jnp.sort(jax.random.randint(k1, (NUM_NODES + 1,), 0, NUM_PINS, dtype=jnp.int32))
    start = start.at[0].set(0).at[-1].set(NUM_PINS)
    # flat node->pin map: pin ids in [0, num_pins)
    flat_node2pin = jax.random.randint(k2, (NUM_PINS,), 0, NUM_PINS, dtype=jnp.int32)
    # sorted_pin_map: rank of each pin in some global sorted order (a permutation)
    sorted_pin_map = jax.random.permutation(k3, NUM_PINS).astype(jnp.int32)
    return {
        'flat_node2pin_start': start,
        'flat_node2pin': flat_node2pin,
        'sorted_pin_map': sorted_pin_map,
    }

def reference(flat_node2pin_start, flat_node2pin, sorted_pin_map):
    # For each node i, over pins p = flat_node2pin[start[i]:start[i+1]],
    # pick the pin id whose sorted_pin_map[p] is minimal (segment arg-min).
    # Empty segments keep the zero-initialized value, matching the torch op.
    num_nodes = flat_node2pin_start.shape[0] - 1
    num_pins = flat_node2pin.shape[0]
    pin_pos = jnp.arange(num_pins, dtype=jnp.int32)
    # owner node of flat position j: count offsets start[1:] that are <= j
    seg_ids = jnp.searchsorted(flat_node2pin_start[1:], pin_pos, side='right')
    pins = flat_node2pin
    vals = jnp.take(sorted_pin_map, pins, axis=0)
    # pass 1: per-node min of sorted values
    seg_min_val = jax.ops.segment_min(vals, seg_ids, num_segments=num_nodes)
    # pass 2: per-node arg-min pin id (sorted_pin_map is a permutation -> no cross-pin ties)
    is_min = vals == jnp.take(seg_min_val, seg_ids, axis=0)
    pin_or_sentinel = jnp.where(is_min, pins, jnp.int32(num_pins))
    best_pin = jax.ops.segment_min(pin_or_sentinel, seg_ids, num_segments=num_nodes)
    counts = jax.ops.segment_sum(jnp.ones(num_pins, dtype=jnp.int32), seg_ids, num_segments=num_nodes)
    node2pinId = jnp.where(counts > 0, best_pin, jnp.int32(0)).astype(jnp.int32)
    return node2pinId

if __name__ == "__main__":
    import jax
    _d = setup_inputs()
    print(jax.jit(kernel)(*tuple(_d.values())))

</pallas_src>

<mosaic_0001>
#map = affine_map<(d0, d1) -> (0)>
module attributes {stable_mosaic.version = 14 : i64} {
  func.func @_body(%arg0: i32, %arg1: i32, %arg2: memref<100024xi32, #tpu.memory_space<hbm>>, %arg3: memref<1604112xi32, #tpu.memory_space<hbm>>, %arg4: memref<1600000xi32, #tpu.memory_space<hbm>>, %arg5: memref<100352xi32, #tpu.memory_space<hbm>>, %arg6: memref<3152xi32, #tpu.memory_space<vmem>>, %arg7: memref<4112xi32, #tpu.memory_space<vmem>>, %arg8: memref<4112xi32, #tpu.memory_space<vmem>>, %arg9: memref<4112xi32, #tpu.memory_space<vmem>>, %arg10: memref<4112xi32, #tpu.memory_space<vmem>>, %arg11: memref<3136xi32, #tpu.memory_space<vmem>>, %arg12: memref<1600000xi32, #tpu.memory_space<vmem_shared>>, %arg13: memref<!tpu.dma_semaphore, #tpu.memory_space<semaphore_mem>>, %arg14: memref<!tpu.dma_semaphore, #tpu.memory_space<semaphore_mem>>, %arg15: memref<!tpu.dma_semaphore, #tpu.memory_space<semaphore_mem>>, %arg16: memref<!tpu.dma_semaphore, #tpu.memory_space<semaphore_mem>>) attributes {dimension_semantics = [#tpu.dimension_semantics<core_parallel>, #tpu.dimension_semantics<subcore_parallel>], iteration_bounds = array<i64: 2, 16>, scalar_prefetch = 0 : i64, scratch_operands = 11 : i64, tpu.core_type = #tpu.core_type<sc_vector_subcore>, window_params = [{transform_indices = #map}, {transform_indices = #map}, {transform_indices = #map}, {transform_indices = #map}]} {
    %mul3A = arith.constant 16 : i32
    %mul3A_0 = arith.muli %arg0, %mul3A : i32
    %add3A = arith.addi %mul3A_0, %arg1 : i32
    %mul3A_1 = arith.constant 3125 : i32
    %mul3A_2 = arith.muli %add3A, %mul3A_1 : i32
    %jit3A = arith.constant 8 : i32
    %div3A = arith.divsi %mul3A_2, %jit3A : i32
    %sign3A = arith.constant 0 : i32
    %sign3A_3 = arith.cmpi sgt, %mul3A_2, %sign3A : i32
    %sign3A_4 = arith.extui %sign3A_3 : i1 to i32
    %sign3A_5 = arith.constant 0 : i32
    %sign3A_6 = arith.cmpi slt, %mul3A_2, %sign3A_5 : i32
    %sign3A_7 = arith.extui %sign3A_6 : i1 to i32
    %sign3A_8 = arith.subi %sign3A_4, %sign3A_7 : i32
    %sign3A_9 = arith.constant 0 : i32
    %sign3A_10 = arith.cmpi sgt, %jit3A, %sign3A_9 : i32
    %sign3A_11 = arith.extui %sign3A_10 : i1 to i32
    %sign3A_12 = arith.constant 0 : i32
    %sign3A_13 = arith.cmpi slt, %jit3A, %sign3A_12 : i32
    %sign3A_14 = arith.extui %sign3A_13 : i1 to i32
    %sign3A_15 = arith.subi %sign3A_11, %sign3A_14 : i32
    %ne3A = arith.cmpi ne, %sign3A_8, %sign3A_15 : i32
    %rem3A = arith.remsi %mul3A_2, %jit3A : i32
    %ne3A_16 = arith.constant 0 : i32
    %ne3A_17 = arith.cmpi ne, %rem3A, %ne3A_16 : i32
    %and3A = arith.andi %ne3A, %ne3A_17 : i1
    %sub3A = arith.constant 1 : i32
    %sub3A_18 = arith.subi %div3A, %sub3A : i32
    %select_n3A = arith.select %and3A, %sub3A_18, %div3A : i32
    %mul3A_19 = arith.constant 8 : i32
    %mul3A_20 = arith.muli %select_n3A, %mul3A_19 : i32
    %sub3A_21 = arith.subi %mul3A_2, %mul3A_20 : i32
    %scan3A = arith.constant 0 : i32
    %scan3A_22 = arith.constant 0 : i32
    %scan3A_23 = arith.constant 25 : i32
    %scan3A_24 = arith.addi %scan3A_22, %scan3A_23 : i32
    %scan3A_25 = arith.constant 1 : i32
    %scan3A_26 = scf.for %scan3A_178 = %scan3A_22 to %scan3A_24 step %scan3A_25 iter_args(%scan3A_179 = %scan3A) -> (i32)  : i32 {
      %mul3A_180 = arith.constant 100000 : i32
      %mul3A_181 = arith.muli %arg1, %mul3A_180 : i32
      %mul3A_182 = arith.constant 4000 : i32
      %mul3A_183 = arith.muli %scan3A_178, %mul3A_182 : i32
      %add3A_184 = arith.addi %mul3A_181, %mul3A_183 : i32
      "tpu.region"() ({
        %run_scoped3A = tpu.sem_alloc : memref<!tpu.dma_semaphore, #tpu.memory_space<semaphore_mem>>
        %dma_start3A_186 = arith.constant 0 : i32
        %dma_start3A_187 = tpu.memref_slice %arg7[%dma_start3A_186] : memref<4112xi32, #tpu.memory_space<vmem>> -> memref<4000xi32, #tpu.memory_space<vmem>>
        %dma_start3A_188 = tpu.memref_slice %arg4[%add3A_184] : memref<1600000xi32, #tpu.memory_space<hbm>> -> memref<4000xi32, #tpu.memory_space<hbm>>
        %dma_start3A_189 = arith.constant 0 : i32
        %dma_start3A_190 = tpu.memref_slice %arg7[%dma_start3A_189] : memref<4112xi32, #tpu.memory_space<vmem>> -> memref<4000xi32, #tpu.memory_space<vmem>>
        %dma_start3A_191 = tpu.memref_slice %arg4[%add3A_184] : memref<1600000xi32, #tpu.memory_space<hbm>> -> memref<4000xi32, #tpu.memory_space<hbm>>
        tpu.enqueue_dma source(%dma_start3A_191 : memref<4000xi32, #tpu.memory_space<hbm>>) target(%dma_start3A_190 : memref<4000xi32, #tpu.memory_space<vmem>>) target_semaphore(%run_scoped3A : memref<!tpu.dma_semaphore, #tpu.memory_space<semaphore_mem>>)
        %dma_wait3A_192 = arith.constant 0 : i32
        %dma_wait3A_193 = tpu.memref_slice %arg7[%dma_wait3A_192] : memref<4112xi32, #tpu.memory_space<vmem>> -> memref<4000xi32, #tpu.memory_space<vmem>>
        %dma_wait3A_194 = tpu.memref_slice %arg4[%add3A_184] : memref<1600000xi32, #tpu.memory_space<hbm>> -> memref<4000xi32, #tpu.memory_space<hbm>>
        %dma_wait3A_195 = arith.constant 0 : i32
        %dma_wait3A_196 = tpu.memref_slice %arg7[%dma_wait3A_195] : memref<4112xi32, #tpu.memory_space<vmem>> -> memref<4000xi32, #tpu.memory_space<vmem>>
        %dma_wait3A_197 = tpu.memref_slice %arg4[%add3A_184] : memref<1600000xi32, #tpu.memory_space<hbm>> -> memref<4000xi32, #tpu.memory_space<hbm>>
        tpu.wait_dma2 semaphore(%run_scoped3A : memref<!tpu.dma_semaphore, #tpu.memory_space<semaphore_mem>>) src(%dma_wait3A_197 : memref<4000xi32, #tpu.memory_space<hbm>>) dst(%dma_wait3A_196 : memref<4000xi32, #tpu.memory_space<vmem>>)
        tpu.yield
      }) : () -> ()
      "tpu.region"() ({
        %run_scoped3A = tpu.sem_alloc : memref<!tpu.dma_semaphore, #tpu.memory_space<semaphore_mem>>
        %dma_start3A_186 = arith.constant 0 : i32
        %dma_start3A_187 = tpu.memref_slice %arg7[%dma_start3A_186] : memref<4112xi32, #tpu.memory_space<vmem>> -> memref<4000xi32, #tpu.memory_space<vmem>>
        %dma_start3A_188 = tpu.memref_slice %arg12[%add3A_184] : memref<1600000xi32, #tpu.memory_space<vmem_shared>> -> memref<4000xi32, #tpu.memory_space<vmem_shared>>
        %dma_start3A_189 = tpu.memref_slice %arg12[%add3A_184] : memref<1600000xi32, #tpu.memory_space<vmem_shared>> -> memref<4000xi32, #tpu.memory_space<vmem_shared>>
        %dma_start3A_190 = arith.constant 0 : i32
        %dma_start3A_191 = tpu.memref_slice %arg7[%dma_start3A_190] : memref<4112xi32, #tpu.memory_space<vmem>> -> memref<4000xi32, #tpu.memory_space<vmem>>
        tpu.enqueue_dma source(%dma_start3A_191 : memref<4000xi32, #tpu.memory_space<vmem>>) target(%dma_start3A_189 : memref<4000xi32, #tpu.memory_space<vmem_shared>>) target_semaphore(%run_scoped3A : memref<!tpu.dma_semaphore, #tpu.memory_space<semaphore_mem>>)
        %dma_wait3A_192 = arith.constant 0 : i32
        %dma_wait3A_193 = tpu.memref_slice %arg7[%dma_wait3A_192] : memref<4112xi32, #tpu.memory_space<vmem>> -> memref<4000xi32, #tpu.memory_space<vmem>>
        %dma_wait3A_194 = tpu.memref_slice %arg12[%add3A_184] : memref<1600000xi32, #tpu.memory_space<vmem_shared>> -> memref<4000xi32, #tpu.memory_space<vmem_shared>>
        %dma_wait3A_195 = tpu.memref_slice %arg12[%add3A_184] : memref<1600000xi32, #tpu.memory_space<vmem_shared>> -> memref<4000xi32, #tpu.memory_space<vmem_shared>>
        %dma_wait3A_196 = arith.constant 0 : i32
        %dma_wait3A_197 = tpu.memref_slice %arg7[%dma_wait3A_196] : memref<4112xi32, #tpu.memory_space<vmem>> -> memref<4000xi32, #tpu.memory_space<vmem>>
        tpu.wait_dma2 semaphore(%run_scoped3A : memref<!tpu.dma_semaphore, #tpu.memory_space<semaphore_mem>>) src(%dma_wait3A_197 : memref<4000xi32, #tpu.memory_space<vmem>>) dst(%dma_wait3A_195 : memref<4000xi32, #tpu.memory_space<vmem_shared>>)
        tpu.yield
      }) : () -> ()
      %scan3A_185 = arith.constant 0 : i32
      scf.yield %scan3A_185 : i32
    }
    %scan3A_27 = arith.constant 25 : i32
    "tpu.region"() ({
      %run_scoped3A = tpu.sem_alloc : memref<!tpu.dma_semaphore, #tpu.memory_space<semaphore_mem>>
      %dma_start3A_178 = tpu.memref_slice %arg2[%mul3A_20] : memref<100024xi32, #tpu.memory_space<hbm>> -> memref<3152xi32, #tpu.memory_space<hbm>>
      %dma_start3A_179 = tpu.memref_slice %arg2[%mul3A_20] : memref<100024xi32, #tpu.memory_space<hbm>> -> memref<3152xi32, #tpu.memory_space<hbm>>
      tpu.enqueue_dma source(%dma_start3A_179 : memref<3152xi32, #tpu.memory_space<hbm>>) target(%arg6 : memref<3152xi32, #tpu.memory_space<vmem>>) target_semaphore(%run_scoped3A : memref<!tpu.dma_semaphore, #tpu.memory_space<semaphore_mem>>)
      %dma_wait3A_180 = tpu.memref_slice %arg2[%mul3A_20] : memref<100024xi32, #tpu.memory_space<hbm>> -> memref<3152xi32, #tpu.memory_space<hbm>>
      %dma_wait3A_181 = tpu.memref_slice %arg2[%mul3A_20] : memref<100024xi32, #tpu.memory_space<hbm>> -> memref<3152xi32, #tpu.memory_space<hbm>>
      tpu.wait_dma2 semaphore(%run_scoped3A : memref<!tpu.dma_semaphore, #tpu.memory_space<semaphore_mem>>) src(%dma_wait3A_181 : memref<3152xi32, #tpu.memory_space<hbm>>) dst(%arg6 : memref<3152xi32, #tpu.memory_space<vmem>>)
      tpu.yield
    }) : () -> ()
    %barrier3A = arith.constant 0 : index
    tpu.barrier barrier_id(%barrier3A)
    %get3A = arith.index_cast %sub3A_21 : i32 to index
    %get3A_28 = tpu.vector_load %arg6[%get3A] {strides = array<i32>} : memref<3152xi32, #tpu.memory_space<vmem>>, vector<16xi32>,
    %slice3A = vector.extract_strided_slice %get3A_28 {offsets = [0], sizes = [1], strides = [1]} : vector<16xi32> to vector<1xi32>
    %squeeze3A = vector.extract %slice3A[0] : i32 from vector<1xi32>
    %add3A_29 = arith.constant 3125 : i32
    %add3A_30 = arith.addi %sub3A_21, %add3A_29 : i32
    %get3A_31 = arith.index_cast %add3A_30 : i32 to index
    %get3A_32 = tpu.vector_load %arg6[%get3A_31] {strides = array<i32>} : memref<3152xi32, #tpu.memory_space<vmem>>, vector<16xi32>,
    %slice3A_33 = vector.extract_strided_slice %get3A_32 {offsets = [0], sizes = [1], strides = [1]} : vector<16xi32> to vector<1xi32>
    %squeeze3A_34 = vector.extract %slice3A_33[0] : i32 from vector<1xi32>
    %jit3A_35 = arith.constant 8 : i32
    %div3A_36 = arith.divsi %squeeze3A, %jit3A_35 : i32
    %sign3A_37 = arith.constant 0 : i32
    %sign3A_38 = arith.cmpi sgt, %squeeze3A, %sign3A_37 : i32
    %sign3A_39 = arith.extui %sign3A_38 : i1 to i32
    %sign3A_40 = arith.constant 0 : i32
    %sign3A_41 = arith.cmpi slt, %squeeze3A, %sign3A_40 : i32
    %sign3A_42 = arith.extui %sign3A_41 : i1 to i32
    %sign3A_43 = arith.subi %sign3A_39, %sign3A_42 : i32
    %sign3A_44 = arith.constant 0 : i32
    %sign3A_45 = arith.cmpi sgt, %jit3A_35, %sign3A_44 : i32
    %sign3A_46 = arith.extui %sign3A_45 : i1 to i32
    %sign3A_47 = arith.constant 0 : i32
    %sign3A_48 = arith.cmpi slt, %jit3A_35, %sign3A_47 : i32
    %sign3A_49 = arith.extui %sign3A_48 : i1 to i32
    %sign3A_50 = arith.subi %sign3A_46, %sign3A_49 : i32
    %ne3A_51 = arith.cmpi ne, %sign3A_43, %sign3A_50 : i32
    %rem3A_52 = arith.remsi %squeeze3A, %jit3A_35 : i32
    %ne3A_53 = arith.constant 0 : i32
    %ne3A_54 = arith.cmpi ne, %rem3A_52, %ne3A_53 : i32
    %and3A_55 = arith.andi %ne3A_51, %ne3A_54 : i1
    %sub3A_56 = arith.constant 1 : i32
    %sub3A_57 = arith.subi %div3A_36, %sub3A_56 : i32
    %select_n3A_58 = arith.select %and3A_55, %sub3A_57, %div3A_36 : i32
    %mul3A_59 = arith.constant 8 : i32
    %mul3A_60 = arith.muli %select_n3A_58, %mul3A_59 : i32
    %sub3A_61 = arith.subi %squeeze3A_34, %mul3A_60 : i32
    %add3A_62 = arith.constant 4096 : i32
    %add3A_63 = arith.addi %sub3A_61, %add3A_62 : i32
    %sub3A_64 = arith.constant 1 : i32
    %sub3A_65 = arith.subi %add3A_63, %sub3A_64 : i32
    %jit3A_66 = arith.constant 4096 : i32
    %div3A_67 = arith.divsi %sub3A_65, %jit3A_66 : i32
    %sign3A_68 = arith.constant 0 : i32
    %sign3A_69 = arith.cmpi sgt, %sub3A_65, %sign3A_68 : i32
    %sign3A_70 = arith.extui %sign3A_69 : i1 to i32
    %sign3A_71 = arith.constant 0 : i32
    %sign3A_72 = arith.cmpi slt, %sub3A_65, %sign3A_71 : i32
    %sign3A_73 = arith.extui %sign3A_72 : i1 to i32
    %sign3A_74 = arith.subi %sign3A_70, %sign3A_73 : i32
    %sign3A_75 = arith.constant 0 : i32
    %sign3A_76 = arith.cmpi sgt, %jit3A_66, %sign3A_75 : i32
    %sign3A_77 = arith.extui %sign3A_76 : i1 to i32
    %sign3A_78 = arith.constant 0 : i32
    %sign3A_79 = arith.cmpi slt, %jit3A_66, %sign3A_78 : i32
    %sign3A_80 = arith.extui %sign3A_79 : i1 to i32
    %sign3A_81 = arith.subi %sign3A_77, %sign3A_80 : i32
    %ne3A_82 = arith.cmpi ne, %sign3A_74, %sign3A_81 : i32
    %rem3A_83 = arith.remsi %sub3A_65, %jit3A_66 : i32
    %ne3A_84 = arith.constant 0 : i32
    %ne3A_85 = arith.cmpi ne, %rem3A_83, %ne3A_84 : i32
    %and3A_86 = arith.andi %ne3A_82, %ne3A_85 : i1
    %sub3A_87 = arith.constant 1 : i32
    %sub3A_88 = arith.subi %div3A_67, %sub3A_87 : i32
    %select_n3A_89 = arith.select %and3A_86, %sub3A_88, %div3A_67 : i32
    %max3A = arith.constant 1 : i32
    %max3A_90 = arith.maxsi %max3A, %select_n3A_89 : i32
    %add3A_91 = arith.constant 1 : i32
    %add3A_92 = arith.addi %max3A_90, %add3A_91 : i32
    %jit3A_93 = arith.constant 2 : i32
    %div3A_94 = arith.divsi %add3A_92, %jit3A_93 : i32
    %sign3A_95 = arith.constant 0 : i32
    %sign3A_96 = arith.cmpi sgt, %add3A_92, %sign3A_95 : i32
    %sign3A_97 = arith.extui %sign3A_96 : i1 to i32
    %sign3A_98 = arith.constant 0 : i32
    %sign3A_99 = arith.cmpi slt, %add3A_92, %sign3A_98 : i32
    %sign3A_100 = arith.extui %sign3A_99 : i1 to i32
    %sign3A_101 = arith.subi %sign3A_97, %sign3A_100 : i32
    %sign3A_102 = arith.constant 0 : i32
    %sign3A_103 = arith.cmpi sgt, %jit3A_93, %sign3A_102 : i32
    %sign3A_104 = arith.extui %sign3A_103 : i1 to i32
    %sign3A_105 = arith.constant 0 : i32
    %sign3A_106 = arith.cmpi slt, %jit3A_93, %sign3A_105 : i32
    %sign3A_107 = arith.extui %sign3A_106 : i1 to i32
    %sign3A_108 = arith.subi %sign3A_104, %sign3A_107 : i32
    %ne3A_109 = arith.cmpi ne, %sign3A_101, %sign3A_108 : i32
    %rem3A_110 = arith.remsi %add3A_92, %jit3A_93 : i32
    %ne3A_111 = arith.constant 0 : i32
    %ne3A_112 = arith.cmpi ne, %rem3A_110, %ne3A_111 : i32
    %and3A_113 = arith.andi %ne3A_109, %ne3A_112 : i1
    %sub3A_114 = arith.constant 1 : i32
    %sub3A_115 = arith.subi %div3A_94, %sub3A_114 : i32
    %select_n3A_116 = arith.select %and3A_113, %sub3A_115, %div3A_94 : i32
    %broadcast_in_dim3A = arith.constant 2147483647 : i32
    %broadcast_in_dim3A_117 = vector.broadcast %broadcast_in_dim3A : i32 to vector<16xi32>
    %add3A_118 = arith.constant 0 : i32
    %add3A_119 = arith.addi %mul3A_60, %add3A_118 : i32
    %min3A = arith.constant 1600016 : i32
    %min3A_120 = arith.minsi %add3A_119, %min3A : i32
    %dma_start3A = arith.constant 0 : i32
    %dma_start3A_121 = tpu.memref_slice %arg7[%dma_start3A] : memref<4112xi32, #tpu.memory_space<vmem>> -> memref<4096xi32, #tpu.memory_space<vmem>>
    %dma_start3A_122 = tpu.memref_slice %arg3[%min3A_120] : memref<1604112xi32, #tpu.memory_space<hbm>> -> memref<4096xi32, #tpu.memory_space<hbm>>
    %dma_start3A_123 = arith.constant 0 : i32
    %dma_start3A_124 = tpu.memref_slice %arg7[%dma_start3A_123] : memref<4112xi32, #tpu.memory_space<vmem>> -> memref<4096xi32, #tpu.memory_space<vmem>>
    %dma_start3A_125 = tpu.memref_slice %arg3[%min3A_120] : memref<1604112xi32, #tpu.memory_space<hbm>> -> memref<4096xi32, #tpu.memory_space<hbm>>
    tpu.enqueue_dma source(%dma_start3A_125 : memref<4096xi32, #tpu.memory_space<hbm>>) target(%dma_start3A_124 : memref<4096xi32, #tpu.memory_space<vmem>>) target_semaphore(%arg13 : memref<!tpu.dma_semaphore, #tpu.memory_space<semaphore_mem>>)
    %dma_wait3A = arith.constant 0 : i32
    %dma_wait3A_126 = tpu.memref_slice %arg7[%dma_wait3A] : memref<4112xi32, #tpu.memory_space<vmem>> -> memref<4096xi32, #tpu.memory_space<vmem>>
    %dma_wait3A_127 = arith.constant 0 : i32
    %dma_wait3A_128 = tpu.memref_slice %arg3[%dma_wait3A_127] : memref<1604112xi32, #tpu.memory_space<hbm>> -> memref<4096xi32, #tpu.memory_space<hbm>>
    %dma_wait3A_129 = arith.constant 0 : i32
    %dma_wait3A_130 = tpu.memref_slice %arg7[%dma_wait3A_129] : memref<4112xi32, #tpu.memory_space<vmem>> -> memref<4096xi32, #tpu.memory_space<vmem>>
    %dma_wait3A_131 = arith.constant 0 : i32
    %dma_wait3A_132 = tpu.memref_slice %arg3[%dma_wait3A_131] : memref<1604112xi32, #tpu.memory_space<hbm>> -> memref<4096xi32, #tpu.memory_space<hbm>>
    tpu.wait_dma2 semaphore(%arg13 : memref<!tpu.dma_semaphore, #tpu.memory_space<semaphore_mem>>) src(%dma_wait3A_132 : memref<4096xi32, #tpu.memory_space<hbm>>) dst(%dma_wait3A_130 : memref<4096xi32, #tpu.memory_space<vmem>>)
    %dma_start3A_133 = arith.constant 0 : i32
    %dma_start3A_134 = tpu.memref_slice %arg8[%dma_start3A_133] : memref<4112xi32, #tpu.memory_space<vmem>> -> memref<4096xi32, #tpu.memory_space<vmem>>
    %dma_start3A_135 = arith.constant 0 : i32
    %dma_start3A_136 = tpu.memref_slice %arg7[%dma_start3A_135] : memref<4112xi32, #tpu.memory_space<vmem>> -> memref<4096xi32, #tpu.memory_space<vmem>>
    %dma_start3A_137 = arith.constant 0 : i32
    %dma_start3A_138 = tpu.memref_slice %arg12[%dma_start3A_137] : memref<1600000xi32, #tpu.memory_space<vmem_shared>> -> memref<1600000xi32, #tpu.memory_space<vmem_shared>>
    tpu.enqueue_indirect_dma source(%dma_start3A_138 : memref<1600000xi32, #tpu.memory_space<vmem_shared>>) target(%dma_start3A_134 : memref<4096xi32, #tpu.memory_space<vmem>>) offsets(%dma_start3A_136 : memref<4096xi32, #tpu.memory_space<vmem>>) semaphore(%arg14 : memref<!tpu.dma_semaphore, #tpu.memory_space<semaphore_mem>>)
    %add3A_139 = arith.constant 4096 : i32
    %add3A_140 = arith.addi %mul3A_60, %add3A_139 : i32
    %min3A_141 = arith.constant 1600016 : i32
    %min3A_142 = arith.minsi %add3A_140, %min3A_141 : i32
    %dma_start3A_143 = arith.constant 0 : i32
    %dma_start3A_144 = tpu.memref_slice %arg9[%dma_start3A_143] : memref<4112xi32, #tpu.memory_space<vmem>> -> memref<4096xi32, #tpu.memory_space<vmem>>
    %dma_start3A_145 = tpu.memref_slice %arg3[%min3A_142] : memref<1604112xi32, #tpu.memory_space<hbm>> -> memref<4096xi32, #tpu.memory_space<hbm>>
    %dma_start3A_146 = arith.constant 0 : i32
    %dma_start3A_147 = tpu.memref_slice %arg9[%dma_start3A_146] : memref<4112xi32, #tpu.memory_space<vmem>> -> memref<4096xi32, #tpu.memory_space<vmem>>
    %dma_start3A_148 = tpu.memref_slice %arg3[%min3A_142] : memref<1604112xi32, #tpu.memory_space<hbm>> -> memref<4096xi32, #tpu.memory_space<hbm>>
    tpu.enqueue_dma source(%dma_start3A_148 : memref<4096xi32, #tpu.memory_space<hbm>>) target(%dma_start3A_147 : memref<4096xi32, #tpu.memory_space<vmem>>) target_semaphore(%arg15 : memref<!tpu.dma_semaphore, #tpu.memory_space<semaphore_mem>>)
    %while3A = arith.constant 0 : i32
    %while3A_149 = arith.constant 0 : i32
    %while3A_150 = arith.subi %select_n3A_116, %while3A : i32
    %while3A_151 = arith.addi %while3A, %while3A_150 : i32
    %while3A_152 = arith.constant 1 : i32
    %while3A_153 = arith.divsi %while3A_150, %while3A_152 : i32
    %while3A_154 = arith.muli %while3A_153, %while3A_152 : i32
    %while3A_155 = arith.addi %while3A, %while3A_154 : i32
    %while3A_156 = arith.constant 1 : i32
    %while3A_157:3 = scf.for %while3A_178 = %while3A to %while3A_155 step %while3A_156 iter_args(%while3A_179 = %while3A_149, %while3A_180 = %broadcast_in_dim3A_117, %while3A_181 = %broadcast_in_dim3A_117) -> (i32, vector<16xi32>, vector<16xi32>)  : i32 {
      %mul3A_182 = arith.constant 2 : i32
      %mul3A_183 = arith.muli %mul3A_182, %while3A_178 : i32
      %dma_wait3A_184 = arith.constant 0 : i32
      %dma_wait3A_185 = tpu.memref_slice %arg9[%dma_wait3A_184] : memref<4112xi32, #tpu.memory_space<vmem>> -> memref<4096xi32, #tpu.memory_space<vmem>>
      %dma_wait3A_186 = arith.constant 0 : i32
      %dma_wait3A_187 = tpu.memref_slice %arg3[%dma_wait3A_186] : memref<1604112xi32, #tpu.memory_space<hbm>> -> memref<4096xi32, #tpu.memory_space<hbm>>
      %dma_wait3A_188 = arith.constant 0 : i32
      %dma_wait3A_189 = tpu.memref_slice %arg9[%dma_wait3A_188] : memref<4112xi32, #tpu.memory_space<vmem>> -> memref<4096xi32, #tpu.memory_space<vmem>>
      %dma_wait3A_190 = arith.constant 0 : i32
      %dma_wait3A_191 = tpu.memref_slice %arg3[%dma_wait3A_190] : memref<1604112xi32, #tpu.memory_space<hbm>> -> memref<4096xi32, #tpu.memory_space<hbm>>
      tpu.wait_dma2 semaphore(%arg15 : memref<!tpu.dma_semaphore, #tpu.memory_space<semaphore_mem>>) src(%dma_wait3A_191 : memref<4096xi32, #tpu.memory_space<hbm>>) dst(%dma_wait3A_189 : memref<4096xi32, #tpu.memory_space<vmem>>)
      %dma_start3A_192 = arith.constant 0 : i32
      %dma_start3A_193 = tpu.memref_slice %arg10[%dma_start3A_192] : memref<4112xi32, #tpu.memory_space<vmem>> -> memref<4096xi32, #tpu.memory_space<vmem>>
      %dma_start3A_194 = arith.constant 0 : i32
      %dma_start3A_195 = tpu.memref_slice %arg9[%dma_start3A_194] : memref<4112xi32, #tpu.memory_space<vmem>> -> memref<4096xi32, #tpu.memory_space<vmem>>
      %dma_start3A_196 = arith.constant 0 : i32
      %dma_start3A_197 = tpu.memref_slice %arg12[%dma_start3A_196] : memref<1600000xi32, #tpu.memory_space<vmem_shared>> -> memref<1600000xi32, #tpu.memory_space<vmem_shared>>
      tpu.enqueue_indirect_dma source(%dma_start3A_197 : memref<1600000xi32, #tpu.memory_space<vmem_shared>>) target(%dma_start3A_193 : memref<4096xi32, #tpu.memory_space<vmem>>) offsets(%dma_start3A_195 : memref<4096xi32, #tpu.memory_space<vmem>>) semaphore(%arg16 : memref<!tpu.dma_semaphore, #tpu.memory_space<semaphore_mem>>)
      %dma_wait3A_198 = arith.constant 0 : i32
      %dma_wait3A_199 = tpu.memref_slice %arg8[%dma_wait3A_198] : memref<4112xi32, #tpu.memory_space<vmem>> -> memref<4096xi32, #tpu.memory_space<vmem>>
      %dma_wait3A_200 = arith.constant 0 : i32
      %dma_wait3A_201 = tpu.memref_slice %arg3[%dma_wait3A_200] : memref<1604112xi32, #tpu.memory_space<hbm>> -> memref<4096xi32, #tpu.memory_space<hbm>>
      %dma_wait3A_202 = arith.constant 0 : i32
      %dma_wait3A_203 = tpu.memref_slice %arg8[%dma_wait3A_202] : memref<4112xi32, #tpu.memory_space<vmem>> -> memref<4096xi32, #tpu.memory_space<vmem>>
      %dma_wait3A_204 = arith.constant 0 : i32
      %dma_wait3A_205 = tpu.memref_slice %arg3[%dma_wait3A_204] : memref<1604112xi32, #tpu.memory_space<hbm>> -> memref<4096xi32, #tpu.memory_space<hbm>>
      tpu.wait_dma2 semaphore(%arg14 : memref<!tpu.dma_semaphore, #tpu.memory_space<semaphore_mem>>) src(%dma_wait3A_205 : memref<4096xi32, #tpu.memory_space<hbm>>) dst(%dma_wait3A_203 : memref<4096xi32, #tpu.memory_space<vmem>>)
      %mul3A_206 = arith.constant 4096 : i32
      %mul3A_207 = arith.muli %mul3A_183, %mul3A_206 : i32
      %add3A_208 = arith.addi %mul3A_60, %mul3A_207 : i32
      %add3A_209 = arith.constant 4096 : i32
      %add3A_210 = arith.addi %add3A_208, %add3A_209 : i32
      %min3A_211 = arith.minsi %add3A_210, %squeeze3A_34 : i32
      %while3A_212:3 = scf.while (%while3A_364 = %while3A_179, %while3A_365 = %while3A_180, %while3A_366 = %while3A_181) : (i32, vector<16xi32>, vector<16xi32>) -> (i32, vector<16xi32>, vector<16xi32>) {
        %add3A_367 = arith.constant 1 : i32
        %add3A_368 = arith.addi %while3A_364, %add3A_367 : i32
        %min3A_369 = arith.constant 196 : i32
        %min3A_370 = arith.minsi %add3A_368, %min3A_369 : i32
        %mul3A_371 = arith.constant 16 : i32
        %mul3A_372 = arith.muli %min3A_370, %mul3A_371 : i32
        %add3A_373 = arith.addi %sub3A_21, %mul3A_372 : i32
        %get3A_374 = arith.index_cast %add3A_373 : i32 to index
        %get3A_375 = tpu.vector_load %arg6[%get3A_374] {strides = array<i32>} : memref<3152xi32, #tpu.memory_space<vmem>>, vector<16xi32>,
        %slice3A_376 = vector.extract_strided_slice %get3A_375 {offsets = [0], sizes = [1], strides = [1]} : vector<16xi32> to vector<1xi32>
        %squeeze3A_377 = vector.extract %slice3A_376[0] : i32 from vector<1xi32>
        %min3A_378 = arith.minsi %squeeze3A_377, %squeeze3A_34 : i32
        %lt3A_379 = arith.constant 196 : i32
        %lt3A_380 = arith.cmpi slt, %while3A_364, %lt3A_379 : i32
        %le3A = arith.cmpi sle, %min3A_378, %min3A_211 : i32
        %and3A_381 = arith.andi %lt3A_380, %le3A : i1
        scf.condition(%and3A_381) %while3A_364, %while3A_365, %while3A_366 : i32, vector<16xi32>, vector<16xi32>
      } do {
      ^bb0(%while3A_364: i32, %while3A_365: vector<16xi32>, %while3A_366: vector<16xi32>):
        %mul3A_367 = arith.constant 16 : i32
        %mul3A_368 = arith.muli %while3A_364, %mul3A_367 : i32
        %add3A_369 = arith.addi %sub3A_21, %mul3A_368 : i32
        %get3A_370 = arith.index_cast %add3A_369 : i32 to index
        %get3A_371 = tpu.vector_load %arg6[%get3A_370] {strides = array<i32>} : memref<3152xi32, #tpu.memory_space<vmem>>, vector<16xi32>,
        %mul3A_372 = arith.constant 16 : i32
        %mul3A_373 = arith.muli %while3A_364, %mul3A_372 : i32
        %add3A_374 = arith.addi %sub3A_21, %mul3A_373 : i32
        %add3A_375 = arith.constant 1 : i32
        %add3A_376 = arith.addi %add3A_374, %add3A_375 : i32
        %get3A_377 = arith.index_cast %add3A_376 : i32 to index
        %get3A_378 = tpu.vector_load %arg6[%get3A_377] {strides = array<i32>} : memref<3152xi32, #tpu.memory_space<vmem>>, vector<16xi32>,
        %min3A_379 = vector.broadcast %squeeze3A_34 : i32 to vector<16xi32>
        %min3A_380 = arith.minsi %get3A_371, %min3A_379 : vector<16xi32>
        %min3A_381 = vector.broadcast %squeeze3A_34 : i32 to vector<16xi32>
        %min3A_382 = arith.minsi %get3A_378, %min3A_381 : vector<16xi32>
        %max3A_383 = vector.broadcast %add3A_208 : i32 to vector<16xi32>
        %max3A_384 = arith.maxsi %min3A_380, %max3A_383 : vector<16xi32>
        %sub3A_385 = arith.subi %min3A_382, %max3A_384 : vector<16xi32>
        %max3A_386 = arith.constant 0 : i32
        %max3A_387 = vector.broadcast %max3A_386 : i32 to vector<16xi32>
        %max3A_388 = arith.maxsi %sub3A_385, %max3A_387 : vector<16xi32>
        %reduce_max3A_389 = arith.constant true
        %reduce_max3A_390 = vector.broadcast %reduce_max3A_389 : i1 to vector<16xi1>
        %reduce_max3A_391 = arith.constant -2147483648 : i32
        %reduce_max3A_392 = vector.broadcast %reduce_max3A_391 : i32 to vector<16xi32>
        %reduce_max3A_393 = arith.xori %max3A_388, %reduce_max3A_392 : vector<16xi32>
        %reduce_max3A_394 = tpu.scan <max>, %reduce_max3A_393 masked %reduce_max3A_390 : vector<16xi32>, vector<16xi1> -> vector<16xi32>
        %reduce_max3A_395 = arith.xori %reduce_max3A_394, %reduce_max3A_392 : vector<16xi32>
        %reduce_max3A_396 = vector.extract %reduce_max3A_395[15] : i32 from vector<16xi32>
        %while3A_397 = arith.constant 0 : i32
        %while3A_398 = arith.subi %reduce_max3A_396, %while3A_397 : i32
        %while3A_399 = arith.addi %while3A_397, %while3A_398 : i32
        %while3A_400 = arith.constant 1 : i32
        %while3A_401 = arith.divsi %while3A_398, %while3A_400 : i32
        %while3A_402 = arith.muli %while3A_401, %while3A_400 : i32
        %while3A_403 = arith.addi %while3A_397, %while3A_402 : i32
        %while3A_404 = arith.constant 1 : i32
        %while3A_405:2 = scf.for %while3A_416 = %while3A_397 to %while3A_403 step %while3A_404 iter_args(%while3A_417 = %while3A_365, %while3A_418 = %while3A_366) -> (vector<16xi32>, vector<16xi32>)  : i32 {
          %add3A_419 = vector.broadcast %while3A_416 : i32 to vector<16xi32>
          %add3A_420 = arith.addi %max3A_384, %add3A_419 : vector<16xi32>
          %lt3A_421 = arith.cmpi slt, %add3A_420, %min3A_382 : vector<16xi32>
          %sub3A_422 = vector.broadcast %add3A_208 : i32 to vector<16xi32>
          %sub3A_423 = arith.subi %add3A_420, %sub3A_422 : vector<16xi32>
          %jit3A_424 = arith.constant 0 : i32
          %broadcast_in_dim3A_425 = vector.broadcast %jit3A_424 : i32 to vector<16xi32>
          %select_n3A_426 = arith.select %lt3A_421, %sub3A_423, %broadcast_in_dim3A_425 : vector<16xi1>, vector<16xi32>
          %gather3A = tpu.vector_load_idx %arg8[%select_n3A_426] : memref<4112xi32, #tpu.memory_space<vmem>>[vector<16xi32>], vector<16xi32>,
          %gather3A_427 = tpu.vector_load_idx %arg7[%select_n3A_426] : memref<4112xi32, #tpu.memory_space<vmem>>[vector<16xi32>], vector<16xi32>,
          %jit3A_428 = arith.constant 2147483647 : i32
          %broadcast_in_dim3A_429 = vector.broadcast %jit3A_428 : i32 to vector<16xi32>
          %select_n3A_430 = arith.select %lt3A_421, %gather3A, %broadcast_in_dim3A_429 : vector<16xi1>, vector<16xi32>
          %lt3A_431 = arith.cmpi slt, %select_n3A_430, %while3A_417 : vector<16xi32>
          %select_n3A_432 = arith.select %lt3A_431, %select_n3A_430, %while3A_417 : vector<16xi1>, vector<16xi32>
          %select_n3A_433 = arith.select %lt3A_431, %gather3A_427, %while3A_418 : vector<16xi1>, vector<16xi32>
          scf.yield %select_n3A_432, %select_n3A_433 : vector<16xi32>, vector<16xi32>
        }
        %while3A_406 = arith.constant 1 : i32
        %while3A_407:2 = scf.for %while3A_416 = %while3A_403 to %while3A_399 step %while3A_406 iter_args(%while3A_417 = %while3A_405#0, %while3A_418 = %while3A_405#1) -> (vector<16xi32>, vector<16xi32>)  : i32 {
          %add3A_419 = vector.broadcast %while3A_416 : i32 to vector<16xi32>
          %add3A_420 = arith.addi %max3A_384, %add3A_419 : vector<16xi32>
          %lt3A_421 = arith.cmpi slt, %add3A_420, %min3A_382 : vector<16xi32>
          %sub3A_422 = vector.broadcast %add3A_208 : i32 to vector<16xi32>
          %sub3A_423 = arith.subi %add3A_420, %sub3A_422 : vector<16xi32>
          %jit3A_424 = arith.constant 0 : i32
          %broadcast_in_dim3A_425 = vector.broadcast %jit3A_424 : i32 to vector<16xi32>
          %select_n3A_426 = arith.select %lt3A_421, %sub3A_423, %broadcast_in_dim3A_425 : vector<16xi1>, vector<16xi32>
          %gather3A = tpu.vector_load_idx %arg8[%select_n3A_426] : memref<4112xi32, #tpu.memory_space<vmem>>[vector<16xi32>], vector<16xi32>,
          %gather3A_427 = tpu.vector_load_idx %arg7[%select_n3A_426] : memref<4112xi32, #tpu.memory_space<vmem>>[vector<16xi32>], vector<16xi32>,
          %jit3A_428 = arith.constant 2147483647 : i32
          %broadcast_in_dim3A_429 = vector.broadcast %jit3A_428 : i32 to vector<16xi32>
          %select_n3A_430 = arith.select %lt3A_421, %gather3A, %broadcast_in_dim3A_429 : vector<16xi1>, vector<16xi32>
          %lt3A_431 = arith.cmpi slt, %select_n3A_430, %while3A_417 : vector<16xi32>
          %select_n3A_432 = arith.select %lt3A_431, %select_n3A_430, %while3A_417 : vector<16xi1>, vector<16xi32>
          %select_n3A_433 = arith.select %lt3A_431, %gather3A_427, %while3A_418 : vector<16xi1>, vector<16xi32>
          scf.yield %select_n3A_432, %select_n3A_433 : vector<16xi32>, vector<16xi32>
        }
        %gt3A = arith.cmpi sgt, %min3A_382, %min3A_380 : vector<16xi32>
        %jit3A_408 = arith.constant 0 : i32
        %broadcast_in_dim3A_409 = vector.broadcast %jit3A_408 : i32 to vector<16xi32>
        %select_n3A_410 = arith.select %gt3A, %while3A_407#1, %broadcast_in_dim3A_409 : vector<16xi1>, vector<16xi32>
        %mul3A_411 = arith.constant 16 : i32
        %mul3A_412 = arith.muli %while3A_364, %mul3A_411 : i32
        %swap3A = arith.index_cast %mul3A_412 : i32 to index
        %swap3A_413 = tpu.vector_load %arg11[%swap3A] {strides = array<i32>} : memref<3136xi32, #tpu.memory_space<vmem>>, vector<16xi32>,
        tpu.vector_store %arg11[%swap3A], %select_n3A_410 {strides = array<i32>} : memref<3136xi32, #tpu.memory_space<vmem>>, vector<16xi32>,
        %add3A_414 = arith.constant 1 : i32
        %add3A_415 = arith.addi %while3A_364, %add3A_414 : i32
        scf.yield %add3A_415, %broadcast_in_dim3A_117, %broadcast_in_dim3A_117 : i32, vector<16xi32>, vector<16xi32>
      }
      %min3A_213 = arith.constant 195 : i32
      %min3A_214 = arith.minsi %while3A_212#0, %min3A_213 : i32
      %mul3A_215 = arith.constant 16 : i32
      %mul3A_216 = arith.muli %min3A_214, %mul3A_215 : i32
      %add3A_217 = arith.addi %sub3A_21, %mul3A_216 : i32
      %get3A_218 = arith.index_cast %add3A_217 : i32 to index
      %get3A_219 = tpu.vector_load %arg6[%get3A_218] {strides = array<i32>} : memref<3152xi32, #tpu.memory_space<vmem>>, vector<16xi32>,
      %mul3A_220 = arith.constant 16 : i32
      %mul3A_221 = arith.muli %min3A_214, %mul3A_220 : i32
      %add3A_222 = arith.addi %sub3A_21, %mul3A_221 : i32
      %add3A_223 = arith.constant 1 : i32
      %add3A_224 = arith.addi %add3A_222, %add3A_223 : i32
      %get3A_225 = arith.index_cast %add3A_224 : i32 to index
      %get3A_226 = tpu.vector_load %arg6[%get3A_225] {strides = array<i32>} : memref<3152xi32, #tpu.memory_space<vmem>>, vector<16xi32>,
      %min3A_227 = vector.broadcast %squeeze3A_34 : i32 to vector<16xi32>
      %min3A_228 = arith.minsi %get3A_219, %min3A_227 : vector<16xi32>
      %min3A_229 = vector.broadcast %squeeze3A_34 : i32 to vector<16xi32>
      %min3A_230 = arith.minsi %get3A_226, %min3A_229 : vector<16xi32>
      %lt3A = arith.constant 196 : i32
      %lt3A_231 = arith.cmpi slt, %while3A_212#0, %lt3A : i32
      %max3A_232 = vector.broadcast %add3A_208 : i32 to vector<16xi32>
      %max3A_233 = arith.maxsi %min3A_228, %max3A_232 : vector<16xi32>
      %min3A_234 = vector.broadcast %min3A_211 : i32 to vector<16xi32>
      %min3A_235 = arith.minsi %min3A_230, %min3A_234 : vector<16xi32>
      %select_n3A_236 = arith.select %lt3A_231, %min3A_235, %max3A_233 : vector<16xi32>
      %sub3A_237 = arith.subi %select_n3A_236, %max3A_233 : vector<16xi32>
      %max3A_238 = arith.constant 0 : i32
      %max3A_239 = vector.broadcast %max3A_238 : i32 to vector<16xi32>
      %max3A_240 = arith.maxsi %sub3A_237, %max3A_239 : vector<16xi32>
      %reduce_max3A = arith.constant true
      %reduce_max3A_241 = vector.broadcast %reduce_max3A : i1 to vector<16xi1>
      %reduce_max3A_242 = arith.constant -2147483648 : i32
      %reduce_max3A_243 = vector.broadcast %reduce_max3A_242 : i32 to vector<16xi32>
      %reduce_max3A_244 = arith.xori %max3A_240, %reduce_max3A_243 : vector<16xi32>
      %reduce_max3A_245 = tpu.scan <max>, %reduce_max3A_244 masked %reduce_max3A_241 : vector<16xi32>, vector<16xi1> -> vector<16xi32>
      %reduce_max3A_246 = arith.xori %reduce_max3A_245, %reduce_max3A_243 : vector<16xi32>
      %reduce_max3A_247 = vector.extract %reduce_max3A_246[15] : i32 from vector<16xi32>
      %while3A_248 = arith.constant 0 : i32
      %while3A_249 = arith.subi %reduce_max3A_247, %while3A_248 : i32
      %while3A_250 = arith.addi %while3A_248, %while3A_249 : i32
      %while3A_251 = arith.constant 1 : i32
      %while3A_252 = arith.divsi %while3A_249, %while3A_251 : i32
      %while3A_253 = arith.muli %while3A_252, %while3A_251 : i32
      %while3A_254 = arith.addi %while3A_248, %while3A_253 : i32
      %while3A_255 = arith.constant 1 : i32
      %while3A_256:2 = scf.for %while3A_364 = %while3A_248 to %while3A_254 step %while3A_255 iter_args(%while3A_365 = %while3A_212#1, %while3A_366 = %while3A_212#2) -> (vector<16xi32>, vector<16xi32>)  : i32 {
        %add3A_367 = vector.broadcast %while3A_364 : i32 to vector<16xi32>
        %add3A_368 = arith.addi %max3A_233, %add3A_367 : vector<16xi32>
        %lt3A_369 = arith.cmpi slt, %add3A_368, %select_n3A_236 : vector<16xi32>
        %sub3A_370 = vector.broadcast %add3A_208 : i32 to vector<16xi32>
        %sub3A_371 = arith.subi %add3A_368, %sub3A_370 : vector<16xi32>
        %jit3A_372 = arith.constant 0 : i32
        %broadcast_in_dim3A_373 = vector.broadcast %jit3A_372 : i32 to vector<16xi32>
        %select_n3A_374 = arith.select %lt3A_369, %sub3A_371, %broadcast_in_dim3A_373 : vector<16xi1>, vector<16xi32>
        %gather3A = tpu.vector_load_idx %arg8[%select_n3A_374] : memref<4112xi32, #tpu.memory_space<vmem>>[vector<16xi32>], vector<16xi32>,
        %gather3A_375 = tpu.vector_load_idx %arg7[%select_n3A_374] : memref<4112xi32, #tpu.memory_space<vmem>>[vector<16xi32>], vector<16xi32>,
        %jit3A_376 = arith.constant 2147483647 : i32
        %broadcast_in_dim3A_377 = vector.broadcast %jit3A_376 : i32 to vector<16xi32>
        %select_n3A_378 = arith.select %lt3A_369, %gather3A, %broadcast_in_dim3A_377 : vector<16xi1>, vector<16xi32>
        %lt3A_379 = arith.cmpi slt, %select_n3A_378, %while3A_365 : vector<16xi32>
        %select_n3A_380 = arith.select %lt3A_379, %select_n3A_378, %while3A_365 : vector<16xi1>, vector<16xi32>
        %select_n3A_381 = arith.select %lt3A_379, %gather3A_375, %while3A_366 : vector<16xi1>, vector<16xi32>
        scf.yield %select_n3A_380, %select_n3A_381 : vector<16xi32>, vector<16xi32>
      }
      %while3A_257 = arith.constant 1 : i32
      %while3A_258:2 = scf.for %while3A_364 = %while3A_254 to %while3A_250 step %while3A_257 iter_args(%while3A_365 = %while3A_256#0, %while3A_366 = %while3A_256#1) -> (vector<16xi32>, vector<16xi32>)  : i32 {
        %add3A_367 = vector.broadcast %while3A_364 : i32 to vector<16xi32>
        %add3A_368 = arith.addi %max3A_233, %add3A_367 : vector<16xi32>
        %lt3A_369 = arith.cmpi slt, %add3A_368, %select_n3A_236 : vector<16xi32>
        %sub3A_370 = vector.broadcast %add3A_208 : i32 to vector<16xi32>
        %sub3A_371 = arith.subi %add3A_368, %sub3A_370 : vector<16xi32>
        %jit3A_372 = arith.constant 0 : i32
        %broadcast_in_dim3A_373 = vector.broadcast %jit3A_372 : i32 to vector<16xi32>
        %select_n3A_374 = arith.select %lt3A_369, %sub3A_371, %broadcast_in_dim3A_373 : vector<16xi1>, vector<16xi32>
        %gather3A = tpu.vector_load_idx %arg8[%select_n3A_374] : memref<4112xi32, #tpu.memory_space<vmem>>[vector<16xi32>], vector<16xi32>,
        %gather3A_375 = tpu.vector_load_idx %arg7[%select_n3A_374] : memref<4112xi32, #tpu.memory_space<vmem>>[vector<16xi32>], vector<16xi32>,
        %jit3A_376 = arith.constant 2147483647 : i32
        %broadcast_in_dim3A_377 = vector.broadcast %jit3A_376 : i32 to vector<16xi32>
        %select_n3A_378 = arith.select %lt3A_369, %gather3A, %broadcast_in_dim3A_377 : vector<16xi1>, vector<16xi32>
        %lt3A_379 = arith.cmpi slt, %select_n3A_378, %while3A_365 : vector<16xi32>
        %select_n3A_380 = arith.select %lt3A_379, %select_n3A_378, %while3A_365 : vector<16xi1>, vector<16xi32>
        %select_n3A_381 = arith.select %lt3A_379, %gather3A_375, %while3A_366 : vector<16xi1>, vector<16xi32>
        scf.yield %select_n3A_380, %select_n3A_381 : vector<16xi32>, vector<16xi32>
      }
      %add3A_259 = arith.constant 2 : i32
      %add3A_260 = arith.addi %mul3A_183, %add3A_259 : i32
      %mul3A_261 = arith.constant 4096 : i32
      %mul3A_262 = arith.muli %add3A_260, %mul3A_261 : i32
      %add3A_263 = arith.addi %mul3A_60, %mul3A_262 : i32
      %min3A_264 = arith.constant 1600016 : i32
      %min3A_265 = arith.minsi %add3A_263, %min3A_264 : i32
      %dma_start3A_266 = arith.constant 0 : i32
      %dma_start3A_267 = tpu.memref_slice %arg7[%dma_start3A_266] : memref<4112xi32, #tpu.memory_space<vmem>> -> memref<4096xi32, #tpu.memory_space<vmem>>
      %dma_start3A_268 = tpu.memref_slice %arg3[%min3A_265] : memref<1604112xi32, #tpu.memory_space<hbm>> -> memref<4096xi32, #tpu.memory_space<hbm>>
      %dma_start3A_269 = arith.constant 0 : i32
      %dma_start3A_270 = tpu.memref_slice %arg7[%dma_start3A_269] : memref<4112xi32, #tpu.memory_space<vmem>> -> memref<4096xi32, #tpu.memory_space<vmem>>
      %dma_start3A_271 = tpu.memref_slice %arg3[%min3A_265] : memref<1604112xi32, #tpu.memory_space<hbm>> -> memref<4096xi32, #tpu.memory_space<hbm>>
      tpu.enqueue_dma source(%dma_start3A_271 : memref<4096xi32, #tpu.memory_space<hbm>>) target(%dma_start3A_270 : memref<4096xi32, #tpu.memory_space<vmem>>) target_semaphore(%arg13 : memref<!tpu.dma_semaphore, #tpu.memory_space<semaphore_mem>>)
      %dma_wait3A_272 = arith.constant 0 : i32
      %dma_wait3A_273 = tpu.memref_slice %arg7[%dma_wait3A_272] : memref<4112xi32, #tpu.memory_space<vmem>> -> memref<4096xi32, #tpu.memory_space<vmem>>
      %dma_wait3A_274 = arith.constant 0 : i32
      %dma_wait3A_275 = tpu.memref_slice %arg3[%dma_wait3A_274] : memref<1604112xi32, #tpu.memory_space<hbm>> -> memref<4096xi32, #tpu.memory_space<hbm>>
      %dma_wait3A_276 = arith.constant 0 : i32
      %dma_wait3A_277 = tpu.memref_slice %arg7[%dma_wait3A_276] : memref<4112xi32, #tpu.memory_space<vmem>> -> memref<4096xi32, #tpu.memory_space<vmem>>
      %dma_wait3A_278 = arith.constant 0 : i32
      %dma_wait3A_279 = tpu.memref_slice %arg3[%dma_wait3A_278] : memref<1604112xi32, #tpu.memory_space<hbm>> -> memref<4096xi32, #tpu.memory_space<hbm>>
      tpu.wait_dma2 semaphore(%arg13 : memref<!tpu.dma_semaphore, #tpu.memory_space<semaphore_mem>>) src(%dma_wait3A_279 : memref<4096xi32, #tpu.memory_space<hbm>>) dst(%dma_wait3A_277 : memref<4096xi32, #tpu.memory_space<vmem>>)
      %dma_start3A_280 = arith.constant 0 : i32
      %dma_start3A_281 = tpu.memref_slice %arg8[%dma_start3A_280] : memref<4112xi32, #tpu.memory_space<vmem>> -> memref<4096xi32, #tpu.memory_space<vmem>>
      %dma_start3A_282 = arith.constant 0 : i32
      %dma_start3A_283 = tpu.memref_slice %arg7[%dma_start3A_282] : memref<4112xi32, #tpu.memory_space<vmem>> -> memref<4096xi32, #tpu.memory_space<vmem>>
      %dma_start3A_284 = arith.constant 0 : i32
      %dma_start3A_285 = tpu.memref_slice %arg12[%dma_start3A_284] : memref<1600000xi32, #tpu.memory_space<vmem_shared>> -> memref<1600000xi32, #tpu.memory_space<vmem_shared>>
      tpu.enqueue_indirect_dma source(%dma_start3A_285 : memref<1600000xi32, #tpu.memory_space<vmem_shared>>) target(%dma_start3A_281 : memref<4096xi32, #tpu.memory_space<vmem>>) offsets(%dma_start3A_283 : memref<4096xi32, #tpu.memory_space<vmem>>) semaphore(%arg14 : memref<!tpu.dma_semaphore, #tpu.memory_space<semaphore_mem>>)
      %dma_wait3A_286 = arith.constant 0 : i32
      %dma_wait3A_287 = tpu.memref_slice %arg10[%dma_wait3A_286] : memref<4112xi32, #tpu.memory_space<vmem>> -> memref<4096xi32, #tpu.memory_space<vmem>>
      %dma_wait3A_288 = arith.constant 0 : i32
      %dma_wait3A_289 = tpu.memref_slice %arg3[%dma_wait3A_288] : memref<1604112xi32, #tpu.memory_space<hbm>> -> memref<4096xi32, #tpu.memory_space<hbm>>
      %dma_wait3A_290 = arith.constant 0 : i32
      %dma_wait3A_291 = tpu.memref_slice %arg10[%dma_wait3A_290] : memref<4112xi32, #tpu.memory_space<vmem>> -> memref<4096xi32, #tpu.memory_space<vmem>>
      %dma_wait3A_292 = arith.constant 0 : i32
      %dma_wait3A_293 = tpu.memref_slice %arg3[%dma_wait3A_292] : memref<1604112xi32, #tpu.memory_space<hbm>> -> memref<4096xi32, #tpu.memory_space<hbm>>
      tpu.wait_dma2 semaphore(%arg16 : memref<!tpu.dma_semaphore, #tpu.memory_space<semaphore_mem>>) src(%dma_wait3A_293 : memref<4096xi32, #tpu.memory_space<hbm>>) dst(%dma_wait3A_291 : memref<4096xi32, #tpu.memory_space<vmem>>)
      %add3A_294 = arith.constant 1 : i32
      %add3A_295 = arith.addi %mul3A_183, %add3A_294 : i32
      %mul3A_296 = arith.constant 4096 : i32
      %mul3A_297 = arith.muli %add3A_295, %mul3A_296 : i32
      %add3A_298 = arith.addi %mul3A_60, %mul3A_297 : i32
      %add3A_299 = arith.constant 4096 : i32
      %add3A_300 = arith.addi %add3A_298, %add3A_299 : i32
      %min3A_301 = arith.minsi %add3A_300, %squeeze3A_34 : i32
      %while3A_302:3 = scf.while (%while3A_364 = %while3A_212#0, %while3A_365 = %while3A_258#0, %while3A_366 = %while3A_258#1) : (i32, vector<16xi32>, vector<16xi32>) -> (i32, vector<16xi32>, vector<16xi32>) {
        %add3A_367 = arith.constant 1 : i32
        %add3A_368 = arith.addi %while3A_364, %add3A_367 : i32
        %min3A_369 = arith.constant 196 : i32
        %min3A_370 = arith.minsi %add3A_368, %min3A_369 : i32
        %mul3A_371 = arith.constant 16 : i32
        %mul3A_372 = arith.muli %min3A_370, %mul3A_371 : i32
        %add3A_373 = arith.addi %sub3A_21, %mul3A_372 : i32
        %get3A_374 = arith.index_cast %add3A_373 : i32 to index
        %get3A_375 = tpu.vector_load %arg6[%get3A_374] {strides = array<i32>} : memref<3152xi32, #tpu.memory_space<vmem>>, vector<16xi32>,
        %slice3A_376 = vector.extract_strided_slice %get3A_375 {offsets = [0], sizes = [1], strides = [1]} : vector<16xi32> to vector<1xi32>
        %squeeze3A_377 = vector.extract %slice3A_376[0] : i32 from vector<1xi32>
        %min3A_378 = arith.minsi %squeeze3A_377, %squeeze3A_34 : i32
        %lt3A_379 = arith.constant 196 : i32
        %lt3A_380 = arith.cmpi slt, %while3A_364, %lt3A_379 : i32
        %le3A = arith.cmpi sle, %min3A_378, %min3A_301 : i32
        %and3A_381 = arith.andi %lt3A_380, %le3A : i1
        scf.condition(%and3A_381) %while3A_364, %while3A_365, %while3A_366 : i32, vector<16xi32>, vector<16xi32>
      } do {
      ^bb0(%while3A_364: i32, %while3A_365: vector<16xi32>, %while3A_366: vector<16xi32>):
        %mul3A_367 = arith.constant 16 : i32
        %mul3A_368 = arith.muli %while3A_364, %mul3A_367 : i32
        %add3A_369 = arith.addi %sub3A_21, %mul3A_368 : i32
        %get3A_370 = arith.index_cast %add3A_369 : i32 to index
        %get3A_371 = tpu.vector_load %arg6[%get3A_370] {strides = array<i32>} : memref<3152xi32, #tpu.memory_space<vmem>>, vector<16xi32>,
        %mul3A_372 = arith.constant 16 : i32
        %mul3A_373 = arith.muli %while3A_364, %mul3A_372 : i32
        %add3A_374 = arith.addi %sub3A_21, %mul3A_373 : i32
        %add3A_375 = arith.constant 1 : i32
        %add3A_376 = arith.addi %add3A_374, %add3A_375 : i32
        %get3A_377 = arith.index_cast %add3A_376 : i32 to index
        %get3A_378 = tpu.vector_load %arg6[%get3A_377] {strides = array<i32>} : memref<3152xi32, #tpu.memory_space<vmem>>, vector<16xi32>,
        %min3A_379 = vector.broadcast %squeeze3A_34 : i32 to vector<16xi32>
        %min3A_380 = arith.minsi %get3A_371, %min3A_379 : vector<16xi32>
        %min3A_381 = vector.broadcast %squeeze3A_34 : i32 to vector<16xi32>
        %min3A_382 = arith.minsi %get3A_378, %min3A_381 : vector<16xi32>
        %max3A_383 = vector.broadcast %add3A_298 : i32 to vector<16xi32>
        %max3A_384 = arith.maxsi %min3A_380, %max3A_383 : vector<16xi32>
        %sub3A_385 = arith.subi %min3A_382, %max3A_384 : vector<16xi32>
        %max3A_386 = arith.constant 0 : i32
        %max3A_387 = vector.broadcast %max3A_386 : i32 to vector<16xi32>
        %max3A_388 = arith.maxsi %sub3A_385, %max3A_387 : vector<16xi32>
        %reduce_max3A_389 = arith.constant true
        %reduce_max3A_390 = vector.broadcast %reduce_max3A_389 : i1 to vector<16xi1>
        %reduce_max3A_391 = arith.constant -2147483648 : i32
        %reduce_max3A_392 = vector.broadcast %reduce_max3A_391 : i32 to vector<16xi32>
        %reduce_max3A_393 = arith.xori %max3A_388, %reduce_max3A_392 : vector<16xi32>
        %reduce_max3A_394 = tpu.scan <max>, %reduce_max3A_393 masked %reduce_max3A_390 : vector<16xi32>, vector<16xi1> -> vector<16xi32>
        %reduce_max3A_395 = arith.xori %reduce_max3A_394, %reduce_max3A_392 : vector<16xi32>
        %reduce_max3A_396 = vector.extract %reduce_max3A_395[15] : i32 from vector<16xi32>
        %while3A_397 = arith.constant 0 : i32
        %while3A_398 = arith.subi %reduce_max3A_396, %while3A_397 : i32
        %while3A_399 = arith.addi %while3A_397, %while3A_398 : i32
        %while3A_400 = arith.constant 1 : i32
        %while3A_401 = arith.divsi %while3A_398, %while3A_400 : i32
        %while3A_402 = arith.muli %while3A_401, %while3A_400 : i32
        %while3A_403 = arith.addi %while3A_397, %while3A_402 : i32
        %while3A_404 = arith.constant 1 : i32
        %while3A_405:2 = scf.for %while3A_416 = %while3A_397 to %while3A_403 step %while3A_404 iter_args(%while3A_417 = %while3A_365, %while3A_418 = %while3A_366) -> (vector<16xi32>, vector<16xi32>)  : i32 {
          %add3A_419 = vector.broadcast %while3A_416 : i32 to vector<16xi32>
          %add3A_420 = arith.addi %max3A_384, %add3A_419 : vector<16xi32>
          %lt3A_421 = arith.cmpi slt, %add3A_420, %min3A_382 : vector<16xi32>
          %sub3A_422 = vector.broadcast %add3A_298 : i32 to vector<16xi32>
          %sub3A_423 = arith.subi %add3A_420, %sub3A_422 : vector<16xi32>
          %jit3A_424 = arith.constant 0 : i32
          %broadcast_in_dim3A_425 = vector.broadcast %jit3A_424 : i32 to vector<16xi32>
          %select_n3A_426 = arith.select %lt3A_421, %sub3A_423, %broadcast_in_dim3A_425 : vector<16xi1>, vector<16xi32>
          %gather3A = tpu.vector_load_idx %arg10[%select_n3A_426] : memref<4112xi32, #tpu.memory_space<vmem>>[vector<16xi32>], vector<16xi32>,
          %gather3A_427 = tpu.vector_load_idx %arg9[%select_n3A_426] : memref<4112xi32, #tpu.memory_space<vmem>>[vector<16xi32>], vector<16xi32>,
          %jit3A_428 = arith.constant 2147483647 : i32
          %broadcast_in_dim3A_429 = vector.broadcast %jit3A_428 : i32 to vector<16xi32>
          %select_n3A_430 = arith.select %lt3A_421, %gather3A, %broadcast_in_dim3A_429 : vector<16xi1>, vector<16xi32>
          %lt3A_431 = arith.cmpi slt, %select_n3A_430, %while3A_417 : vector<16xi32>
          %select_n3A_432 = arith.select %lt3A_431, %select_n3A_430, %while3A_417 : vector<16xi1>, vector<16xi32>
          %select_n3A_433 = arith.select %lt3A_431, %gather3A_427, %while3A_418 : vector<16xi1>, vector<16xi32>
          scf.yield %select_n3A_432, %select_n3A_433 : vector<16xi32>, vector<16xi32>
        }
        %while3A_406 = arith.constant 1 : i32
        %while3A_407:2 = scf.for %while3A_416 = %while3A_403 to %while3A_399 step %while3A_406 iter_args(%while3A_417 = %while3A_405#0, %while3A_418 = %while3A_405#1) -> (vector<16xi32>, vector<16xi32>)  : i32 {
          %add3A_419 = vector.broadcast %while3A_416 : i32 to vector<16xi32>
          %add3A_420 = arith.addi %max3A_384, %add3A_419 : vector<16xi32>
          %lt3A_421 = arith.cmpi slt, %add3A_420, %min3A_382 : vector<16xi32>
          %sub3A_422 = vector.broadcast %add3A_298 : i32 to vector<16xi32>
          %sub3A_423 = arith.subi %add3A_420, %sub3A_422 : vector<16xi32>
          %jit3A_424 = arith.constant 0 : i32
          %broadcast_in_dim3A_425 = vector.broadcast %jit3A_424 : i32 to vector<16xi32>
          %select_n3A_426 = arith.select %lt3A_421, %sub3A_423, %broadcast_in_dim3A_425 : vector<16xi1>, vector<16xi32>
          %gather3A = tpu.vector_load_idx %arg10[%select_n3A_426] : memref<4112xi32, #tpu.memory_space<vmem>>[vector<16xi32>], vector<16xi32>,
          %gather3A_427 = tpu.vector_load_idx %arg9[%select_n3A_426] : memref<4112xi32, #tpu.memory_space<vmem>>[vector<16xi32>], vector<16xi32>,
          %jit3A_428 = arith.constant 2147483647 : i32
          %broadcast_in_dim3A_429 = vector.broadcast %jit3A_428 : i32 to vector<16xi32>
          %select_n3A_430 = arith.select %lt3A_421, %gather3A, %broadcast_in_dim3A_429 : vector<16xi1>, vector<16xi32>
          %lt3A_431 = arith.cmpi slt, %select_n3A_430, %while3A_417 : vector<16xi32>
          %select_n3A_432 = arith.select %lt3A_431, %select_n3A_430, %while3A_417 : vector<16xi1>, vector<16xi32>
          %select_n3A_433 = arith.select %lt3A_431, %gather3A_427, %while3A_418 : vector<16xi1>, vector<16xi32>
          scf.yield %select_n3A_432, %select_n3A_433 : vector<16xi32>, vector<16xi32>
        }
        %gt3A = arith.cmpi sgt, %min3A_382, %min3A_380 : vector<16xi32>
        %jit3A_408 = arith.constant 0 : i32
        %broadcast_in_dim3A_409 = vector.broadcast %jit3A_408 : i32 to vector<16xi32>
        %select_n3A_410 = arith.select %gt3A, %while3A_407#1, %broadcast_in_dim3A_409 : vector<16xi1>, vector<16xi32>
        %mul3A_411 = arith.constant 16 : i32
        %mul3A_412 = arith.muli %while3A_364, %mul3A_411 : i32
        %swap3A = arith.index_cast %mul3A_412 : i32 to index
        %swap3A_413 = tpu.vector_load %arg11[%swap3A] {strides = array<i32>} : memref<3136xi32, #tpu.memory_space<vmem>>, vector<16xi32>,
        tpu.vector_store %arg11[%swap3A], %select_n3A_410 {strides = array<i32>} : memref<3136xi32, #tpu.memory_space<vmem>>, vector<16xi32>,
        %add3A_414 = arith.constant 1 : i32
        %add3A_415 = arith.addi %while3A_364, %add3A_414 : i32
        scf.yield %add3A_415, %broadcast_in_dim3A_117, %broadcast_in_dim3A_117 : i32, vector<16xi32>, vector<16xi32>
      }
      %min3A_303 = arith.constant 195 : i32
      %min3A_304 = arith.minsi %while3A_302#0, %min3A_303 : i32
      %mul3A_305 = arith.constant 16 : i32
      %mul3A_306 = arith.muli %min3A_304, %mul3A_305 : i32
      %add3A_307 = arith.addi %sub3A_21, %mul3A_306 : i32
      %get3A_308 = arith.index_cast %add3A_307 : i32 to index
      %get3A_309 = tpu.vector_load %arg6[%get3A_308] {strides = array<i32>} : memref<3152xi32, #tpu.memory_space<vmem>>, vector<16xi32>,
      %mul3A_310 = arith.constant 16 : i32
      %mul3A_311 = arith.muli %min3A_304, %mul3A_310 : i32
      %add3A_312 = arith.addi %sub3A_21, %mul3A_311 : i32
      %add3A_313 = arith.constant 1 : i32
      %add3A_314 = arith.addi %add3A_312, %add3A_313 : i32
      %get3A_315 = arith.index_cast %add3A_314 : i32 to index
      %get3A_316 = tpu.vector_load %arg6[%get3A_315] {strides = array<i32>} : memref<3152xi32, #tpu.memory_space<vmem>>, vector<16xi32>,
      %min3A_317 = vector.broadcast %squeeze3A_34 : i32 to vector<16xi32>
      %min3A_318 = arith.minsi %get3A_309, %min3A_317 : vector<16xi32>
      %min3A_319 = vector.broadcast %squeeze3A_34 : i32 to vector<16xi32>
      %min3A_320 = arith.minsi %get3A_316, %min3A_319 : vector<16xi32>
      %lt3A_321 = arith.constant 196 : i32
      %lt3A_322 = arith.cmpi slt, %while3A_302#0, %lt3A_321 : i32
      %max3A_323 = vector.broadcast %add3A_298 : i32 to vector<16xi32>
      %max3A_324 = arith.maxsi %min3A_318, %max3A_323 : vector<16xi32>
      %min3A_325 = vector.broadcast %min3A_301 : i32 to vector<16xi32>
      %min3A_326 = arith.minsi %min3A_320, %min3A_325 : vector<16xi32>
      %select_n3A_327 = arith.select %lt3A_322, %min3A_326, %max3A_324 : vector<16xi32>
      %sub3A_328 = arith.subi %select_n3A_327, %max3A_324 : vector<16xi32>
      %max3A_329 = arith.constant 0 : i32
      %max3A_330 = vector.broadcast %max3A_329 : i32 to vector<16xi32>
      %max3A_331 = arith.maxsi %sub3A_328, %max3A_330 : vector<16xi32>
      %reduce_max3A_332 = arith.constant true
      %reduce_max3A_333 = vector.broadcast %reduce_max3A_332 : i1 to vector<16xi1>
      %reduce_max3A_334 = arith.constant -2147483648 : i32
      %reduce_max3A_335 = vector.broadcast %reduce_max3A_334 : i32 to vector<16xi32>
      %reduce_max3A_336 = arith.xori %max3A_331, %reduce_max3A_335 : vector<16xi32>
      %reduce_max3A_337 = tpu.scan <max>, %reduce_max3A_336 masked %reduce_max3A_333 : vector<16xi32>, vector<16xi1> -> vector<16xi32>
      %reduce_max3A_338 = arith.xori %reduce_max3A_337, %reduce_max3A_335 : vector<16xi32>
      %reduce_max3A_339 = vector.extract %reduce_max3A_338[15] : i32 from vector<16xi32>
      %while3A_340 = arith.constant 0 : i32
      %while3A_341 = arith.subi %reduce_max3A_339, %while3A_340 : i32
      %while3A_342 = arith.addi %while3A_340, %while3A_341 : i32
      %while3A_343 = arith.constant 1 : i32
      %while3A_344 = arith.divsi %while3A_341, %while3A_343 : i32
      %while3A_345 = arith.muli %while3A_344, %while3A_343 : i32
      %while3A_346 = arith.addi %while3A_340, %while3A_345 : i32
      %while3A_347 = arith.constant 1 : i32
      %while3A_348:2 = scf.for %while3A_364 = %while3A_340 to %while3A_346 step %while3A_347 iter_args(%while3A_365 = %while3A_302#1, %while3A_366 = %while3A_302#2) -> (vector<16xi32>, vector<16xi32>)  : i32 {
        %add3A_367 = vector.broadcast %while3A_364 : i32 to vector<16xi32>
        %add3A_368 = arith.addi %max3A_324, %add3A_367 : vector<16xi32>
        %lt3A_369 = arith.cmpi slt, %add3A_368, %select_n3A_327 : vector<16xi32>
        %sub3A_370 = vector.broadcast %add3A_298 : i32 to vector<16xi32>
        %sub3A_371 = arith.subi %add3A_368, %sub3A_370 : vector<16xi32>
        %jit3A_372 = arith.constant 0 : i32
        %broadcast_in_dim3A_373 = vector.broadcast %jit3A_372 : i32 to vector<16xi32>
        %select_n3A_374 = arith.select %lt3A_369, %sub3A_371, %broadcast_in_dim3A_373 : vector<16xi1>, vector<16xi32>
        %gather3A = tpu.vector_load_idx %arg10[%select_n3A_374] : memref<4112xi32, #tpu.memory_space<vmem>>[vector<16xi32>], vector<16xi32>,
        %gather3A_375 = tpu.vector_load_idx %arg9[%select_n3A_374] : memref<4112xi32, #tpu.memory_space<vmem>>[vector<16xi32>], vector<16xi32>,
        %jit3A_376 = arith.constant 2147483647 : i32
        %broadcast_in_dim3A_377 = vector.broadcast %jit3A_376 : i32 to vector<16xi32>
        %select_n3A_378 = arith.select %lt3A_369, %gather3A, %broadcast_in_dim3A_377 : vector<16xi1>, vector<16xi32>
        %lt3A_379 = arith.cmpi slt, %select_n3A_378, %while3A_365 : vector<16xi32>
        %select_n3A_380 = arith.select %lt3A_379, %select_n3A_378, %while3A_365 : vector<16xi1>, vector<16xi32>
        %select_n3A_381 = arith.select %lt3A_379, %gather3A_375, %while3A_366 : vector<16xi1>, vector<16xi32>
        scf.yield %select_n3A_380, %select_n3A_381 : vector<16xi32>, vector<16xi32>
      }
      %while3A_349 = arith.constant 1 : i32
      %while3A_350:2 = scf.for %while3A_364 = %while3A_346 to %while3A_342 step %while3A_349 iter_args(%while3A_365 = %while3A_348#0, %while3A_366 = %while3A_348#1) -> (vector<16xi32>, vector<16xi32>)  : i32 {
        %add3A_367 = vector.broadcast %while3A_364 : i32 to vector<16xi32>
        %add3A_368 = arith.addi %max3A_324, %add3A_367 : vector<16xi32>
        %lt3A_369 = arith.cmpi slt, %add3A_368, %select_n3A_327 : vector<16xi32>
        %sub3A_370 = vector.broadcast %add3A_298 : i32 to vector<16xi32>
        %sub3A_371 = arith.subi %add3A_368, %sub3A_370 : vector<16xi32>
        %jit3A_372 = arith.constant 0 : i32
        %broadcast_in_dim3A_373 = vector.broadcast %jit3A_372 : i32 to vector<16xi32>
        %select_n3A_374 = arith.select %lt3A_369, %sub3A_371, %broadcast_in_dim3A_373 : vector<16xi1>, vector<16xi32>
        %gather3A = tpu.vector_load_idx %arg10[%select_n3A_374] : memref<4112xi32, #tpu.memory_space<vmem>>[vector<16xi32>], vector<16xi32>,
        %gather3A_375 = tpu.vector_load_idx %arg9[%select_n3A_374] : memref<4112xi32, #tpu.memory_space<vmem>>[vector<16xi32>], vector<16xi32>,
        %jit3A_376 = arith.constant 2147483647 : i32
        %broadcast_in_dim3A_377 = vector.broadcast %jit3A_376 : i32 to vector<16xi32>
        %select_n3A_378 = arith.select %lt3A_369, %gather3A, %broadcast_in_dim3A_377 : vector<16xi1>, vector<16xi32>
        %lt3A_379 = arith.cmpi slt, %select_n3A_378, %while3A_365 : vector<16xi32>
        %select_n3A_380 = arith.select %lt3A_379, %select_n3A_378, %while3A_365 : vector<16xi1>, vector<16xi32>
        %select_n3A_381 = arith.select %lt3A_379, %gather3A_375, %while3A_366 : vector<16xi1>, vector<16xi32>
        scf.yield %select_n3A_380, %select_n3A_381 : vector<16xi32>, vector<16xi32>
      }
      %add3A_351 = arith.constant 3 : i32
      %add3A_352 = arith.addi %mul3A_183, %add3A_351 : i32
      %mul3A_353 = arith.constant 4096 : i32
      %mul3A_354 = arith.muli %add3A_352, %mul3A_353 : i32
      %add3A_355 = arith.addi %mul3A_60, %mul3A_354 : i32
      %min3A_356 = arith.constant 1600016 : i32
      %min3A_357 = arith.minsi %add3A_355, %min3A_356 : i32
      %dma_start3A_358 = arith.constant 0 : i32
      %dma_start3A_359 = tpu.memref_slice %arg9[%dma_start3A_358] : memref<4112xi32, #tpu.memory_space<vmem>> -> memref<4096xi32, #tpu.memory_space<vmem>>
      %dma_start3A_360 = tpu.memref_slice %arg3[%min3A_357] : memref<1604112xi32, #tpu.memory_space<hbm>> -> memref<4096xi32, #tpu.memory_space<hbm>>
      %dma_start3A_361 = arith.constant 0 : i32
      %dma_start3A_362 = tpu.memref_slice %arg9[%dma_start3A_361] : memref<4112xi32, #tpu.memory_space<vmem>> -> memref<4096xi32, #tpu.memory_space<vmem>>
      %dma_start3A_363 = tpu.memref_slice %arg3[%min3A_357] : memref<1604112xi32, #tpu.memory_space<hbm>> -> memref<4096xi32, #tpu.memory_space<hbm>>
      tpu.enqueue_dma source(%dma_start3A_363 : memref<4096xi32, #tpu.memory_space<hbm>>) target(%dma_start3A_362 : memref<4096xi32, #tpu.memory_space<vmem>>) target_semaphore(%arg15 : memref<!tpu.dma_semaphore, #tpu.memory_space<semaphore_mem>>)
      scf.yield %while3A_302#0, %while3A_350#0, %while3A_350#1 : i32, vector<16xi32>, vector<16xi32>
    }
    %while3A_158 = arith.constant 1 : i32
    %while3A_159:3 = scf.for %while3A_178 = %while3A_155 to %while3A_151 step %while3A_158 iter_args(%while3A_179 = %while3A_157#0, %while3A_180 = %while3A_157#1, %while3A_181 = %while3A_157#2) -> (i32, vector<16xi32>, vector<16xi32>)  : i32 {
      %mul3A_182 = arith.constant 2 : i32
      %mul3A_183 = arith.muli %mul3A_182, %while3A_178 : i32
      %dma_wait3A_184 = arith.constant 0 : i32
      %dma_wait3A_185 = tpu.memref_slice %arg9[%dma_wait3A_184] : memref<4112xi32, #tpu.memory_space<vmem>> -> memref<4096xi32, #tpu.memory_space<vmem>>
      %dma_wait3A_186 = arith.constant 0 : i32
      %dma_wait3A_187 = tpu.memref_slice %arg3[%dma_wait3A_186] : memref<1604112xi32, #tpu.memory_space<hbm>> -> memref<4096xi32, #tpu.memory_space<hbm>>
      %dma_wait3A_188 = arith.constant 0 : i32
      %dma_wait3A_189 = tpu.memref_slice %arg9[%dma_wait3A_188] : memref<4112xi32, #tpu.memory_space<vmem>> -> memref<4096xi32, #tpu.memory_space<vmem>>
      %dma_wait3A_190 = arith.constant 0 : i32
      %dma_wait3A_191 = tpu.memref_slice %arg3[%dma_wait3A_190] : memref<1604112xi32, #tpu.memory_space<hbm>> -> memref<4096xi32, #tpu.memory_space<hbm>>
      tpu.wait_dma2 semaphore(%arg15 : memref<!tpu.dma_semaphore, #tpu.memory_space<semaphore_mem>>) src(%dma_wait3A_191 : memref<4096xi32, #tpu.memory_space<hbm>>) dst(%dma_wait3A_189 : memref<4096xi32, #tpu.memory_space<vmem>>)
      %dma_start3A_192 = arith.constant 0 : i32
      %dma_start3A_193 = tpu.memref_slice %arg10[%dma_start3A_192] : memref<4112xi32, #tpu.memory_space<vmem>> -> memref<4096xi32, #tpu.memory_space<vmem>>
      %dma_start3A_194 = arith.constant 0 : i32
      %dma_start3A_195 = tpu.memref_slice %arg9[%dma_start3A_194] : memref<4112xi32, #tpu.memory_space<vmem>> -> memref<4096xi32, #tpu.memory_space<vmem>>
      %dma_start3A_196 = arith.constant 0 : i32
      %dma_start3A_197 = tpu.memref_slice %arg12[%dma_start3A_196] : memref<1600000xi32, #tpu.memory_space<vmem_shared>> -> memref<1600000xi32, #tpu.memory_space<vmem_shared>>
      tpu.enqueue_indirect_dma source(%dma_start3A_197 : memref<1600000xi32, #tpu.memory_space<vmem_shared>>) target(%dma_start3A_193 : memref<4096xi32, #tpu.memory_space<vmem>>) offsets(%dma_start3A_195 : memref<4096xi32, #tpu.memory_space<vmem>>) semaphore(%arg16 : memref<!tpu.dma_semaphore, #tpu.memory_space<semaphore_mem>>)
      %dma_wait3A_198 = arith.constant 0 : i32
      %dma_wait3A_199 = tpu.memref_slice %arg8[%dma_wait3A_198] : memref<4112xi32, #tpu.memory_space<vmem>> -> memref<4096xi32, #tpu.memory_space<vmem>>
      %dma_wait3A_200 = arith.constant 0 : i32
      %dma_wait3A_201 = tpu.memref_slice %arg3[%dma_wait3A_200] : memref<1604112xi32, #tpu.memory_space<hbm>> -> memref<4096xi32, #tpu.memory_space<hbm>>
      %dma_wait3A_202 = arith.constant 0 : i32
      %dma_wait3A_203 = tpu.memref_slice %arg8[%dma_wait3A_202] : memref<4112xi32, #tpu.memory_space<vmem>> -> memref<4096xi32, #tpu.memory_space<vmem>>
      %dma_wait3A_204 = arith.constant 0 : i32
      %dma_wait3A_205 = tpu.memref_slice %arg3[%dma_wait3A_204] : memref<1604112xi32, #tpu.memory_space<hbm>> -> memref<4096xi32, #tpu.memory_space<hbm>>
      tpu.wait_dma2 semaphore(%arg14 : memref<!tpu.dma_semaphore, #tpu.memory_space<semaphore_mem>>) src(%dma_wait3A_205 : memref<4096xi32, #tpu.memory_space<hbm>>) dst(%dma_wait3A_203 : memref<4096xi32, #tpu.memory_space<vmem>>)
      %mul3A_206 = arith.constant 4096 : i32
      %mul3A_207 = arith.muli %mul3A_183, %mul3A_206 : i32
      %add3A_208 = arith.addi %mul3A_60, %mul3A_207 : i32
      %add3A_209 = arith.constant 4096 : i32
      %add3A_210 = arith.addi %add3A_208, %add3A_209 : i32
      %min3A_211 = arith.minsi %add3A_210, %squeeze3A_34 : i32
      %while3A_212:3 = scf.while (%while3A_364 = %while3A_179, %while3A_365 = %while3A_180, %while3A_366 = %while3A_181) : (i32, vector<16xi32>, vector<16xi32>) -> (i32, vector<16xi32>, vector<16xi32>) {
        %add3A_367 = arith.constant 1 : i32
        %add3A_368 = arith.addi %while3A_364, %add3A_367 : i32
        %min3A_369 = arith.constant 196 : i32
        %min3A_370 = arith.minsi %add3A_368, %min3A_369 : i32
        %mul3A_371 = arith.constant 16 : i32
        %mul3A_372 = arith.muli %min3A_370, %mul3A_371 : i32
        %add3A_373 = arith.addi %sub3A_21, %mul3A_372 : i32
        %get3A_374 = arith.index_cast %add3A_373 : i32 to index
        %get3A_375 = tpu.vector_load %arg6[%get3A_374] {strides = array<i32>} : memref<3152xi32, #tpu.memory_space<vmem>>, vector<16xi32>,
        %slice3A_376 = vector.extract_strided_slice %get3A_375 {offsets = [0], sizes = [1], strides = [1]} : vector<16xi32> to vector<1xi32>
        %squeeze3A_377 = vector.extract %slice3A_376[0] : i32 from vector<1xi32>
        %min3A_378 = arith.minsi %squeeze3A_377, %squeeze3A_34 : i32
        %lt3A_379 = arith.constant 196 : i32
        %lt3A_380 = arith.cmpi slt, %while3A_364, %lt3A_379 : i32
        %le3A = arith.cmpi sle, %min3A_378, %min3A_211 : i32
        %and3A_381 = arith.andi %lt3A_380, %le3A : i1
        scf.condition(%and3A_381) %while3A_364, %while3A_365, %while3A_366 : i32, vector<16xi32>, vector<16xi32>
      } do {
      ^bb0(%while3A_364: i32, %while3A_365: vector<16xi32>, %while3A_366: vector<16xi32>):
        %mul3A_367 = arith.constant 16 : i32
        %mul3A_368 = arith.muli %while3A_364, %mul3A_367 : i32
        %add3A_369 = arith.addi %sub3A_21, %mul3A_368 : i32
        %get3A_370 = arith.index_cast %add3A_369 : i32 to index
        %get3A_371 = tpu.vector_load %arg6[%get3A_370] {strides = array<i32>} : memref<3152xi32, #tpu.memory_space<vmem>>, vector<16xi32>,
        %mul3A_372 = arith.constant 16 : i32
        %mul3A_373 = arith.muli %while3A_364, %mul3A_372 : i32
        %add3A_374 = arith.addi %sub3A_21, %mul3A_373 : i32
        %add3A_375 = arith.constant 1 : i32
        %add3A_376 = arith.addi %add3A_374, %add3A_375 : i32
        %get3A_377 = arith.index_cast %add3A_376 : i32 to index
        %get3A_378 = tpu.vector_load %arg6[%get3A_377] {strides = array<i32>} : memref<3152xi32, #tpu.memory_space<vmem>>, vector<16xi32>,
        %min3A_379 = vector.broadcast %squeeze3A_34 : i32 to vector<16xi32>
        %min3A_380 = arith.minsi %get3A_371, %min3A_379 : vector<16xi32>
        %min3A_381 = vector.broadcast %squeeze3A_34 : i32 to vector<16xi32>
        %min3A_382 = arith.minsi %get3A_378, %min3A_381 : vector<16xi32>
        %max3A_383 = vector.broadcast %add3A_208 : i32 to vector<16xi32>
        %max3A_384 = arith.maxsi %min3A_380, %max3A_383 : vector<16xi32>
        %sub3A_385 = arith.subi %min3A_382, %max3A_384 : vector<16xi32>
        %max3A_386 = arith.constant 0 : i32
        %max3A_387 = vector.broadcast %max3A_386 : i32 to vector<16xi32>
        %max3A_388 = arith.maxsi %sub3A_385, %max3A_387 : vector<16xi32>
        %reduce_max3A_389 = arith.constant true
        %reduce_max3A_390 = vector.broadcast %reduce_max3A_389 : i1 to vector<16xi1>
        %reduce_max3A_391 = arith.constant -2147483648 : i32
        %reduce_max3A_392 = vector.broadcast %reduce_max3A_391 : i32 to vector<16xi32>
        %reduce_max3A_393 = arith.xori %max3A_388, %reduce_max3A_392 : vector<16xi32>
        %reduce_max3A_394 = tpu.scan <max>, %reduce_max3A_393 masked %reduce_max3A_390 : vector<16xi32>, vector<16xi1> -> vector<16xi32>
        %reduce_max3A_395 = arith.xori %reduce_max3A_394, %reduce_max3A_392 : vector<16xi32>
        %reduce_max3A_396 = vector.extract %reduce_max3A_395[15] : i32 from vector<16xi32>
        %while3A_397 = arith.constant 0 : i32
        %while3A_398 = arith.subi %reduce_max3A_396, %while3A_397 : i32
        %while3A_399 = arith.addi %while3A_397, %while3A_398 : i32
        %while3A_400 = arith.constant 1 : i32
        %while3A_401 = arith.divsi %while3A_398, %while3A_400 : i32
        %while3A_402 = arith.muli %while3A_401, %while3A_400 : i32
        %while3A_403 = arith.addi %while3A_397, %while3A_402 : i32
        %while3A_404 = arith.constant 1 : i32
        %while3A_405:2 = scf.for %while3A_416 = %while3A_397 to %while3A_403 step %while3A_404 iter_args(%while3A_417 = %while3A_365, %while3A_418 = %while3A_366) -> (vector<16xi32>, vector<16xi32>)  : i32 {
          %add3A_419 = vector.broadcast %while3A_416 : i32 to vector<16xi32>
          %add3A_420 = arith.addi %max3A_384, %add3A_419 : vector<16xi32>
          %lt3A_421 = arith.cmpi slt, %add3A_420, %min3A_382 : vector<16xi32>
          %sub3A_422 = vector.broadcast %add3A_208 : i32 to vector<16xi32>
          %sub3A_423 = arith.subi %add3A_420, %sub3A_422 : vector<16xi32>
          %jit3A_424 = arith.constant 0 : i32
          %broadcast_in_dim3A_425 = vector.broadcast %jit3A_424 : i32 to vector<16xi32>
          %select_n3A_426 = arith.select %lt3A_421, %sub3A_423, %broadcast_in_dim3A_425 : vector<16xi1>, vector<16xi32>
          %gather3A = tpu.vector_load_idx %arg8[%select_n3A_426] : memref<4112xi32, #tpu.memory_space<vmem>>[vector<16xi32>], vector<16xi32>,
          %gather3A_427 = tpu.vector_load_idx %arg7[%select_n3A_426] : memref<4112xi32, #tpu.memory_space<vmem>>[vector<16xi32>], vector<16xi32>,
          %jit3A_428 = arith.constant 2147483647 : i32
          %broadcast_in_dim3A_429 = vector.broadcast %jit3A_428 : i32 to vector<16xi32>
          %select_n3A_430 = arith.select %lt3A_421, %gather3A, %broadcast_in_dim3A_429 : vector<16xi1>, vector<16xi32>
          %lt3A_431 = arith.cmpi slt, %select_n3A_430, %while3A_417 : vector<16xi32>
          %select_n3A_432 = arith.select %lt3A_431, %select_n3A_430, %while3A_417 : vector<16xi1>, vector<16xi32>
          %select_n3A_433 = arith.select %lt3A_431, %gather3A_427, %while3A_418 : vector<16xi1>, vector<16xi32>
          scf.yield %select_n3A_432, %select_n3A_433 : vector<16xi32>, vector<16xi32>
        }
        %while3A_406 = arith.constant 1 : i32
        %while3A_407:2 = scf.for %while3A_416 = %while3A_403 to %while3A_399 step %while3A_406 iter_args(%while3A_417 = %while3A_405#0, %while3A_418 = %while3A_405#1) -> (vector<16xi32>, vector<16xi32>)  : i32 {
          %add3A_419 = vector.broadcast %while3A_416 : i32 to vector<16xi32>
          %add3A_420 = arith.addi %max3A_384, %add3A_419 : vector<16xi32>
          %lt3A_421 = arith.cmpi slt, %add3A_420, %min3A_382 : vector<16xi32>
          %sub3A_422 = vector.broadcast %add3A_208 : i32 to vector<16xi32>
          %sub3A_423 = arith.subi %add3A_420, %sub3A_422 : vector<16xi32>
          %jit3A_424 = arith.constant 0 : i32
          %broadcast_in_dim3A_425 = vector.broadcast %jit3A_424 : i32 to vector<16xi32>
          %select_n3A_426 = arith.select %lt3A_421, %sub3A_423, %broadcast_in_dim3A_425 : vector<16xi1>, vector<16xi32>
          %gather3A = tpu.vector_load_idx %arg8[%select_n3A_426] : memref<4112xi32, #tpu.memory_space<vmem>>[vector<16xi32>], vector<16xi32>,
          %gather3A_427 = tpu.vector_load_idx %arg7[%select_n3A_426] : memref<4112xi32, #tpu.memory_space<vmem>>[vector<16xi32>], vector<16xi32>,
          %jit3A_428 = arith.constant 2147483647 : i32
          %broadcast_in_dim3A_429 = vector.broadcast %jit3A_428 : i32 to vector<16xi32>
          %select_n3A_430 = arith.select %lt3A_421, %gather3A, %broadcast_in_dim3A_429 : vector<16xi1>, vector<16xi32>
          %lt3A_431 = arith.cmpi slt, %select_n3A_430, %while3A_417 : vector<16xi32>
          %select_n3A_432 = arith.select %lt3A_431, %select_n3A_430, %while3A_417 : vector<16xi1>, vector<16xi32>
          %select_n3A_433 = arith.select %lt3A_431, %gather3A_427, %while3A_418 : vector<16xi1>, vector<16xi32>
          scf.yield %select_n3A_432, %select_n3A_433 : vector<16xi32>, vector<16xi32>
        }
        %gt3A = arith.cmpi sgt, %min3A_382, %min3A_380 : vector<16xi32>
        %jit3A_408 = arith.constant 0 : i32
        %broadcast_in_dim3A_409 = vector.broadcast %jit3A_408 : i32 to vector<16xi32>
        %select_n3A_410 = arith.select %gt3A, %while3A_407#1, %broadcast_in_dim3A_409 : vector<16xi1>, vector<16xi32>
        %mul3A_411 = arith.constant 16 : i32
        %mul3A_412 = arith.muli %while3A_364, %mul3A_411 : i32
        %swap3A = arith.index_cast %mul3A_412 : i32 to index
        %swap3A_413 = tpu.vector_load %arg11[%swap3A] {strides = array<i32>} : memref<3136xi32, #tpu.memory_space<vmem>>, vector<16xi32>,
        tpu.vector_store %arg11[%swap3A], %select_n3A_410 {strides = array<i32>} : memref<3136xi32, #tpu.memory_space<vmem>>, vector<16xi32>,
        %add3A_414 = arith.constant 1 : i32
        %add3A_415 = arith.addi %while3A_364, %add3A_414 : i32
        scf.yield %add3A_415, %broadcast_in_dim3A_117, %broadcast_in_dim3A_117 : i32, vector<16xi32>, vector<16xi32>
      }
      %min3A_213 = arith.constant 195 : i32
      %min3A_214 = arith.minsi %while3A_212#0, %min3A_213 : i32
      %mul3A_215 = arith.constant 16 : i32
      %mul3A_216 = arith.muli %min3A_214, %mul3A_215 : i32
      %add3A_217 = arith.addi %sub3A_21, %mul3A_216 : i32
      %get3A_218 = arith.index_cast %add3A_217 : i32 to index
      %get3A_219 = tpu.vector_load %arg6[%get3A_218] {strides = array<i32>} : memref<3152xi32, #tpu.memory_space<vmem>>, vector<16xi32>,
      %mul3A_220 = arith.constant 16 : i32
      %mul3A_221 = arith.muli %min3A_214, %mul3A_220 : i32
      %add3A_222 = arith.addi %sub3A_21, %mul3A_221 : i32
      %add3A_223 = arith.constant 1 : i32
      %add3A_224 = arith.addi %add3A_222, %add3A_223 : i32
      %get3A_225 = arith.index_cast %add3A_224 : i32 to index
      %get3A_226 = tpu.vector_load %arg6[%get3A_225] {strides = array<i32>} : memref<3152xi32, #tpu.memory_space<vmem>>, vector<16xi32>,
      %min3A_227 = vector.broadcast %squeeze3A_34 : i32 to vector<16xi32>
      %min3A_228 = arith.minsi %get3A_219, %min3A_227 : vector<16xi32>
      %min3A_229 = vector.broadcast %squeeze3A_34 : i32 to vector<16xi32>
      %min3A_230 = arith.minsi %get3A_226, %min3A_229 : vector<16xi32>
      %lt3A = arith.constant 196 : i32
      %lt3A_231 = arith.cmpi slt, %while3A_212#0, %lt3A : i32
      %max3A_232 = vector.broadcast %add3A_208 : i32 to vector<16xi32>
      %max3A_233 = arith.maxsi %min3A_228, %max3A_232 : vector<16xi32>
      %min3A_234 = vector.broadcast %min3A_211 : i32 to vector<16xi32>
      %min3A_235 = arith.minsi %min3A_230, %min3A_234 : vector<16xi32>
      %select_n3A_236 = arith.select %lt3A_231, %min3A_235, %max3A_233 : vector<16xi32>
      %sub3A_237 = arith.subi %select_n3A_236, %max3A_233 : vector<16xi32>
      %max3A_238 = arith.constant 0 : i32
      %max3A_239 = vector.broadcast %max3A_238 : i32 to vector<16xi32>
      %max3A_240 = arith.maxsi %sub3A_237, %max3A_239 : vector<16xi32>
      %reduce_max3A = arith.constant true
      %reduce_max3A_241 = vector.broadcast %reduce_max3A : i1 to vector<16xi1>
      %reduce_max3A_242 = arith.constant -2147483648 : i32
      %reduce_max3A_243 = vector.broadcast %reduce_max3A_242 : i32 to vector<16xi32>
      %reduce_max3A_244 = arith.xori %max3A_240, %reduce_max3A_243 : vector<16xi32>
      %reduce_max3A_245 = tpu.scan <max>, %reduce_max3A_244 masked %reduce_max3A_241 : vector<16xi32>, vector<16xi1> -> vector<16xi32>
      %reduce_max3A_246 = arith.xori %reduce_max3A_245, %reduce_max3A_243 : vector<16xi32>
      %reduce_max3A_247 = vector.extract %reduce_max3A_246[15] : i32 from vector<16xi32>
      %while3A_248 = arith.constant 0 : i32
      %while3A_249 = arith.subi %reduce_max3A_247, %while3A_248 : i32
      %while3A_250 = arith.addi %while3A_248, %while3A_249 : i32
      %while3A_251 = arith.constant 1 : i32
      %while3A_252 = arith.divsi %while3A_249, %while3A_251 : i32
      %while3A_253 = arith.muli %while3A_252, %while3A_251 : i32
      %while3A_254 = arith.addi %while3A_248, %while3A_253 : i32
      %while3A_255 = arith.constant 1 : i32
      %while3A_256:2 = scf.for %while3A_364 = %while3A_248 to %while3A_254 step %while3A_255 iter_args(%while3A_365 = %while3A_212#1, %while3A_366 = %while3A_212#2) -> (vector<16xi32>, vector<16xi32>)  : i32 {
        %add3A_367 = vector.broadcast %while3A_364 : i32 to vector<16xi32>
        %add3A_368 = arith.addi %max3A_233, %add3A_367 : vector<16xi32>
        %lt3A_369 = arith.cmpi slt, %add3A_368, %select_n3A_236 : vector<16xi32>
        %sub3A_370 = vector.broadcast %add3A_208 : i32 to vector<16xi32>
        %sub3A_371 = arith.subi %add3A_368, %sub3A_370 : vector<16xi32>
        %jit3A_372 = arith.constant 0 : i32
        %broadcast_in_dim3A_373 = vector.broadcast %jit3A_372 : i32 to vector<16xi32>
        %select_n3A_374 = arith.select %lt3A_369, %sub3A_371, %broadcast_in_dim3A_373 : vector<16xi1>, vector<16xi32>
        %gather3A = tpu.vector_load_idx %arg8[%select_n3A_374] : memref<4112xi32, #tpu.memory_space<vmem>>[vector<16xi32>], vector<16xi32>,
        %gather3A_375 = tpu.vector_load_idx %arg7[%select_n3A_374] : memref<4112xi32, #tpu.memory_space<vmem>>[vector<16xi32>], vector<16xi32>,
        %jit3A_376 = arith.constant 2147483647 : i32
        %broadcast_in_dim3A_377 = vector.broadcast %jit3A_376 : i32 to vector<16xi32>
        %select_n3A_378 = arith.select %lt3A_369, %gather3A, %broadcast_in_dim3A_377 : vector<16xi1>, vector<16xi32>
        %lt3A_379 = arith.cmpi slt, %select_n3A_378, %while3A_365 : vector<16xi32>
        %select_n3A_380 = arith.select %lt3A_379, %select_n3A_378, %while3A_365 : vector<16xi1>, vector<16xi32>
        %select_n3A_381 = arith.select %lt3A_379, %gather3A_375, %while3A_366 : vector<16xi1>, vector<16xi32>
        scf.yield %select_n3A_380, %select_n3A_381 : vector<16xi32>, vector<16xi32>
      }
      %while3A_257 = arith.constant 1 : i32
      %while3A_258:2 = scf.for %while3A_364 = %while3A_254 to %while3A_250 step %while3A_257 iter_args(%while3A_365 = %while3A_256#0, %while3A_366 = %while3A_256#1) -> (vector<16xi32>, vector<16xi32>)  : i32 {
        %add3A_367 = vector.broadcast %while3A_364 : i32 to vector<16xi32>
        %add3A_368 = arith.addi %max3A_233, %add3A_367 : vector<16xi32>
        %lt3A_369 = arith.cmpi slt, %add3A_368, %select_n3A_236 : vector<16xi32>
        %sub3A_370 = vector.broadcast %add3A_208 : i32 to vector<16xi32>
        %sub3A_371 = arith.subi %add3A_368, %sub3A_370 : vector<16xi32>
        %jit3A_372 = arith.constant 0 : i32
        %broadcast_in_dim3A_373 = vector.broadcast %jit3A_372 : i32 to vector<16xi32>
        %select_n3A_374 = arith.select %lt3A_369, %sub3A_371, %broadcast_in_dim3A_373 : vector<16xi1>, vector<16xi32>
        %gather3A = tpu.vector_load_idx %arg8[%select_n3A_374] : memref<4112xi32, #tpu.memory_space<vmem>>[vector<16xi32>], vector<16xi32>,
        %gather3A_375 = tpu.vector_load_idx %arg7[%select_n3A_374] : memref<4112xi32, #tpu.memory_space<vmem>>[vector<16xi32>], vector<16xi32>,
        %jit3A_376 = arith.constant 2147483647 : i32
        %broadcast_in_dim3A_377 = vector.broadcast %jit3A_376 : i32 to vector<16xi32>
        %select_n3A_378 = arith.select %lt3A_369, %gather3A, %broadcast_in_dim3A_377 : vector<16xi1>, vector<16xi32>
        %lt3A_379 = arith.cmpi slt, %select_n3A_378, %while3A_365 : vector<16xi32>
        %select_n3A_380 = arith.select %lt3A_379, %select_n3A_378, %while3A_365 : vector<16xi1>, vector<16xi32>
        %select_n3A_381 = arith.select %lt3A_379, %gather3A_375, %while3A_366 : vector<16xi1>, vector<16xi32>
        scf.yield %select_n3A_380, %select_n3A_381 : vector<16xi32>, vector<16xi32>
      }
      %add3A_259 = arith.constant 2 : i32
      %add3A_260 = arith.addi %mul3A_183, %add3A_259 : i32
      %mul3A_261 = arith.constant 4096 : i32
      %mul3A_262 = arith.muli %add3A_260, %mul3A_261 : i32
      %add3A_263 = arith.addi %mul3A_60, %mul3A_262 : i32
      %min3A_264 = arith.constant 1600016 : i32
      %min3A_265 = arith.minsi %add3A_263, %min3A_264 : i32
      %dma_start3A_266 = arith.constant 0 : i32
      %dma_start3A_267 = tpu.memref_slice %arg7[%dma_start3A_266] : memref<4112xi32, #tpu.memory_space<vmem>> -> memref<4096xi32, #tpu.memory_space<vmem>>
      %dma_start3A_268 = tpu.memref_slice %arg3[%min3A_265] : memref<1604112xi32, #tpu.memory_space<hbm>> -> memref<4096xi32, #tpu.memory_space<hbm>>
      %dma_start3A_269 = arith.constant 0 : i32
      %dma_start3A_270 = tpu.memref_slice %arg7[%dma_start3A_269] : memref<4112xi32, #tpu.memory_space<vmem>> -> memref<4096xi32, #tpu.memory_space<vmem>>
      %dma_start3A_271 = tpu.memref_slice %arg3[%min3A_265] : memref<1604112xi32, #tpu.memory_space<hbm>> -> memref<4096xi32, #tpu.memory_space<hbm>>
      tpu.enqueue_dma source(%dma_start3A_271 : memref<4096xi32, #tpu.memory_space<hbm>>) target(%dma_start3A_270 : memref<4096xi32, #tpu.memory_space<vmem>>) target_semaphore(%arg13 : memref<!tpu.dma_semaphore, #tpu.memory_space<semaphore_mem>>)
      %dma_wait3A_272 = arith.constant 0 : i32
      %dma_wait3A_273 = tpu.memref_slice %arg7[%dma_wait3A_272] : memref<4112xi32, #tpu.memory_space<vmem>> -> memref<4096xi32, #tpu.memory_space<vmem>>
      %dma_wait3A_274 = arith.constant 0 : i32
      %dma_wait3A_275 = tpu.memref_slice %arg3[%dma_wait3A_274] : memref<1604112xi32, #tpu.memory_space<hbm>> -> memref<4096xi32, #tpu.memory_space<hbm>>
      %dma_wait3A_276 = arith.constant 0 : i32
      %dma_wait3A_277 = tpu.memref_slice %arg7[%dma_wait3A_276] : memref<4112xi32, #tpu.memory_space<vmem>> -> memref<4096xi32, #tpu.memory_space<vmem>>
      %dma_wait3A_278 = arith.constant 0 : i32
      %dma_wait3A_279 = tpu.memref_slice %arg3[%dma_wait3A_278] : memref<1604112xi32, #tpu.memory_space<hbm>> -> memref<4096xi32, #tpu.memory_space<hbm>>
      tpu.wait_dma2 semaphore(%arg13 : memref<!tpu.dma_semaphore, #tpu.memory_space<semaphore_mem>>) src(%dma_wait3A_279 : memref<4096xi32, #tpu.memory_space<hbm>>) dst(%dma_wait3A_277 : memref<4096xi32, #tpu.memory_space<vmem>>)
      %dma_start3A_280 = arith.constant 0 : i32
      %dma_start3A_281 = tpu.memref_slice %arg8[%dma_start3A_280] : memref<4112xi32, #tpu.memory_space<vmem>> -> memref<4096xi32, #tpu.memory_space<vmem>>
      %dma_start3A_282 = arith.constant 0 : i32
      %dma_start3A_283 = tpu.memref_slice %arg7[%dma_start3A_282] : memref<4112xi32, #tpu.memory_space<vmem>> -> memref<4096xi32, #tpu.memory_space<vmem>>
      %dma_start3A_284 = arith.constant 0 : i32
      %dma_start3A_285 = tpu.memref_slice %arg12[%dma_start3A_284] : memref<1600000xi32, #tpu.memory_space<vmem_shared>> -> memref<1600000xi32, #tpu.memory_space<vmem_shared>>
      tpu.enqueue_indirect_dma source(%dma_start3A_285 : memref<1600000xi32, #tpu.memory_space<vmem_shared>>) target(%dma_start3A_281 : memref<4096xi32, #tpu.memory_space<vmem>>) offsets(%dma_start3A_283 : memref<4096xi32, #tpu.memory_space<vmem>>) semaphore(%arg14 : memref<!tpu.dma_semaphore, #tpu.memory_space<semaphore_mem>>)
      %dma_wait3A_286 = arith.constant 0 : i32
      %dma_wait3A_287 = tpu.memref_slice %arg10[%dma_wait3A_286] : memref<4112xi32, #tpu.memory_space<vmem>> -> memref<4096xi32, #tpu.memory_space<vmem>>
      %dma_wait3A_288 = arith.constant 0 : i32
      %dma_wait3A_289 = tpu.memref_slice %arg3[%dma_wait3A_288] : memref<1604112xi32, #tpu.memory_space<hbm>> -> memref<4096xi32, #tpu.memory_space<hbm>>
      %dma_wait3A_290 = arith.constant 0 : i32
      %dma_wait3A_291 = tpu.memref_slice %arg10[%dma_wait3A_290] : memref<4112xi32, #tpu.memory_space<vmem>> -> memref<4096xi32, #tpu.memory_space<vmem>>
      %dma_wait3A_292 = arith.constant 0 : i32
      %dma_wait3A_293 = tpu.memref_slice %arg3[%dma_wait3A_292] : memref<1604112xi32, #tpu.memory_space<hbm>> -> memref<4096xi32, #tpu.memory_space<hbm>>
      tpu.wait_dma2 semaphore(%arg16 : memref<!tpu.dma_semaphore, #tpu.memory_space<semaphore_mem>>) src(%dma_wait3A_293 : memref<4096xi32, #tpu.memory_space<hbm>>) dst(%dma_wait3A_291 : memref<4096xi32, #tpu.memory_space<vmem>>)
      %add3A_294 = arith.constant 1 : i32
      %add3A_295 = arith.addi %mul3A_183, %add3A_294 : i32
      %mul3A_296 = arith.constant 4096 : i32
      %mul3A_297 = arith.muli %add3A_295, %mul3A_296 : i32
      %add3A_298 = arith.addi %mul3A_60, %mul3A_297 : i32
      %add3A_299 = arith.constant 4096 : i32
      %add3A_300 = arith.addi %add3A_298, %add3A_299 : i32
      %min3A_301 = arith.minsi %add3A_300, %squeeze3A_34 : i32
      %while3A_302:3 = scf.while (%while3A_364 = %while3A_212#0, %while3A_365 = %while3A_258#0, %while3A_366 = %while3A_258#1) : (i32, vector<16xi32>, vector<16xi32>) -> (i32, vector<16xi32>, vector<16xi32>) {
        %add3A_367 = arith.constant 1 : i32
        %add3A_368 = arith.addi %while3A_364, %add3A_367 : i32
        %min3A_369 = arith.constant 196 : i32
        %min3A_370 = arith.minsi %add3A_368, %min3A_369 : i32
        %mul3A_371 = arith.constant 16 : i32
        %mul3A_372 = arith.muli %min3A_370, %mul3A_371 : i32
        %add3A_373 = arith.addi %sub3A_21, %mul3A_372 : i32
        %get3A_374 = arith.index_cast %add3A_373 : i32 to index
        %get3A_375 = tpu.vector_load %arg6[%get3A_374] {strides = array<i32>} : memref<3152xi32, #tpu.memory_space<vmem>>, vector<16xi32>,
        %slice3A_376 = vector.extract_strided_slice %get3A_375 {offsets = [0], sizes = [1], strides = [1]} : vector<16xi32> to vector<1xi32>
        %squeeze3A_377 = vector.extract %slice3A_376[0] : i32 from vector<1xi32>
        %min3A_378 = arith.minsi %squeeze3A_377, %squeeze3A_34 : i32
        %lt3A_379 = arith.constant 196 : i32
        %lt3A_380 = arith.cmpi slt, %while3A_364, %lt3A_379 : i32
        %le3A = arith.cmpi sle, %min3A_378, %min3A_301 : i32
        %and3A_381 = arith.andi %lt3A_380, %le3A : i1
        scf.condition(%and3A_381) %while3A_364, %while3A_365, %while3A_366 : i32, vector<16xi32>, vector<16xi32>
      } do {
      ^bb0(%while3A_364: i32, %while3A_365: vector<16xi32>, %while3A_366: vector<16xi32>):
        %mul3A_367 = arith.constant 16 : i32
        %mul3A_368 = arith.muli %while3A_364, %mul3A_367 : i32
        %add3A_369 = arith.addi %sub3A_21, %mul3A_368 : i32
        %get3A_370 = arith.index_cast %add3A_369 : i32 to index
        %get3A_371 = tpu.vector_load %arg6[%get3A_370] {strides = array<i32>} : memref<3152xi32, #tpu.memory_space<vmem>>, vector<16xi32>,
        %mul3A_372 = arith.constant 16 : i32
        %mul3A_373 = arith.muli %while3A_364, %mul3A_372 : i32
        %add3A_374 = arith.addi %sub3A_21, %mul3A_373 : i32
        %add3A_375 = arith.constant 1 : i32
        %add3A_376 = arith.addi %add3A_374, %add3A_375 : i32
        %get3A_377 = arith.index_cast %add3A_376 : i32 to index
        %get3A_378 = tpu.vector_load %arg6[%get3A_377] {strides = array<i32>} : memref<3152xi32, #tpu.memory_space<vmem>>, vector<16xi32>,
        %min3A_379 = vector.broadcast %squeeze3A_34 : i32 to vector<16xi32>
        %min3A_380 = arith.minsi %get3A_371, %min3A_379 : vector<16xi32>
        %min3A_381 = vector.broadcast %squeeze3A_34 : i32 to vector<16xi32>
        %min3A_382 = arith.minsi %get3A_378, %min3A_381 : vector<16xi32>
        %max3A_383 = vector.broadcast %add3A_298 : i32 to vector<16xi32>
        %max3A_384 = arith.maxsi %min3A_380, %max3A_383 : vector<16xi32>
        %sub3A_385 = arith.subi %min3A_382, %max3A_384 : vector<16xi32>
        %max3A_386 = arith.constant 0 : i32
        %max3A_387 = vector.broadcast %max3A_386 : i32 to vector<16xi32>
        %max3A_388 = arith.maxsi %sub3A_385, %max3A_387 : vector<16xi32>
        %reduce_max3A_389 = arith.constant true
        %reduce_max3A_390 = vector.broadcast %reduce_max3A_389 : i1 to vector<16xi1>
        %reduce_max3A_391 = arith.constant -2147483648 : i32
        %reduce_max3A_392 = vector.broadcast %reduce_max3A_391 : i32 to vector<16xi32>
        %reduce_max3A_393 = arith.xori %max3A_388, %reduce_max3A_392 : vector<16xi32>
        %reduce_max3A_394 = tpu.scan <max>, %reduce_max3A_393 masked %reduce_max3A_390 : vector<16xi32>, vector<16xi1> -> vector<16xi32>
        %reduce_max3A_395 = arith.xori %reduce_max3A_394, %reduce_max3A_392 : vector<16xi32>
        %reduce_max3A_396 = vector.extract %reduce_max3A_395[15] : i32 from vector<16xi32>
        %while3A_397 = arith.constant 0 : i32
        %while3A_398 = arith.subi %reduce_max3A_396, %while3A_397 : i32
        %while3A_399 = arith.addi %while3A_397, %while3A_398 : i32
        %while3A_400 = arith.constant 1 : i32
        %while3A_401 = arith.divsi %while3A_398, %while3A_400 : i32
        %while3A_402 = arith.muli %while3A_401, %while3A_400 : i32
        %while3A_403 = arith.addi %while3A_397, %while3A_402 : i32
        %while3A_404 = arith.constant 1 : i32
        %while3A_405:2 = scf.for %while3A_416 = %while3A_397 to %while3A_403 step %while3A_404 iter_args(%while3A_417 = %while3A_365, %while3A_418 = %while3A_366) -> (vector<16xi32>, vector<16xi32>)  : i32 {
          %add3A_419 = vector.broadcast %while3A_416 : i32 to vector<16xi32>
          %add3A_420 = arith.addi %max3A_384, %add3A_419 : vector<16xi32>
          %lt3A_421 = arith.cmpi slt, %add3A_420, %min3A_382 : vector<16xi32>
          %sub3A_422 = vector.broadcast %add3A_298 : i32 to vector<16xi32>
          %sub3A_423 = arith.subi %add3A_420, %sub3A_422 : vector<16xi32>
          %jit3A_424 = arith.constant 0 : i32
          %broadcast_in_dim3A_425 = vector.broadcast %jit3A_424 : i32 to vector<16xi32>
          %select_n3A_426 = arith.select %lt3A_421, %sub3A_423, %broadcast_in_dim3A_425 : vector<16xi1>, vector<16xi32>
          %gather3A = tpu.vector_load_idx %arg10[%select_n3A_426] : memref<4112xi32, #tpu.memory_space<vmem>>[vector<16xi32>], vector<16xi32>,
          %gather3A_427 = tpu.vector_load_idx %arg9[%select_n3A_426] : memref<4112xi32, #tpu.memory_space<vmem>>[vector<16xi32>], vector<16xi32>,
          %jit3A_428 = arith.constant 2147483647 : i32
          %broadcast_in_dim3A_429 = vector.broadcast %jit3A_428 : i32 to vector<16xi32>
          %select_n3A_430 = arith.select %lt3A_421, %gather3A, %broadcast_in_dim3A_429 : vector<16xi1>, vector<16xi32>
          %lt3A_431 = arith.cmpi slt, %select_n3A_430, %while3A_417 : vector<16xi32>
          %select_n3A_432 = arith.select %lt3A_431, %select_n3A_430, %while3A_417 : vector<16xi1>, vector<16xi32>
          %select_n3A_433 = arith.select %lt3A_431, %gather3A_427, %while3A_418 : vector<16xi1>, vector<16xi32>
          scf.yield %select_n3A_432, %select_n3A_433 : vector<16xi32>, vector<16xi32>
        }
        %while3A_406 = arith.constant 1 : i32
        %while3A_407:2 = scf.for %while3A_416 = %while3A_403 to %while3A_399 step %while3A_406 iter_args(%while3A_417 = %while3A_405#0, %while3A_418 = %while3A_405#1) -> (vector<16xi32>, vector<16xi32>)  : i32 {
          %add3A_419 = vector.broadcast %while3A_416 : i32 to vector<16xi32>
          %add3A_420 = arith.addi %max3A_384, %add3A_419 : vector<16xi32>
          %lt3A_421 = arith.cmpi slt, %add3A_420, %min3A_382 : vector<16xi32>
          %sub3A_422 = vector.broadcast %add3A_298 : i32 to vector<16xi32>
          %sub3A_423 = arith.subi %add3A_420, %sub3A_422 : vector<16xi32>
          %jit3A_424 = arith.constant 0 : i32
          %broadcast_in_dim3A_425 = vector.broadcast %jit3A_424 : i32 to vector<16xi32>
          %select_n3A_426 = arith.select %lt3A_421, %sub3A_423, %broadcast_in_dim3A_425 : vector<16xi1>, vector<16xi32>
          %gather3A = tpu.vector_load_idx %arg10[%select_n3A_426] : memref<4112xi32, #tpu.memory_space<vmem>>[vector<16xi32>], vector<16xi32>,
          %gather3A_427 = tpu.vector_load_idx %arg9[%select_n3A_426] : memref<4112xi32, #tpu.memory_space<vmem>>[vector<16xi32>], vector<16xi32>,
          %jit3A_428 = arith.constant 2147483647 : i32
          %broadcast_in_dim3A_429 = vector.broadcast %jit3A_428 : i32 to vector<16xi32>
          %select_n3A_430 = arith.select %lt3A_421, %gather3A, %broadcast_in_dim3A_429 : vector<16xi1>, vector<16xi32>
          %lt3A_431 = arith.cmpi slt, %select_n3A_430, %while3A_417 : vector<16xi32>
          %select_n3A_432 = arith.select %lt3A_431, %select_n3A_430, %while3A_417 : vector<16xi1>, vector<16xi32>
          %select_n3A_433 = arith.select %lt3A_431, %gather3A_427, %while3A_418 : vector<16xi1>, vector<16xi32>
          scf.yield %select_n3A_432, %select_n3A_433 : vector<16xi32>, vector<16xi32>
        }
        %gt3A = arith.cmpi sgt, %min3A_382, %min3A_380 : vector<16xi32>
        %jit3A_408 = arith.constant 0 : i32
        %broadcast_in_dim3A_409 = vector.broadcast %jit3A_408 : i32 to vector<16xi32>
        %select_n3A_410 = arith.select %gt3A, %while3A_407#1, %broadcast_in_dim3A_409 : vector<16xi1>, vector<16xi32>
        %mul3A_411 = arith.constant 16 : i32
        %mul3A_412 = arith.muli %while3A_364, %mul3A_411 : i32
        %swap3A = arith.index_cast %mul3A_412 : i32 to index
        %swap3A_413 = tpu.vector_load %arg11[%swap3A] {strides = array<i32>} : memref<3136xi32, #tpu.memory_space<vmem>>, vector<16xi32>,
        tpu.vector_store %arg11[%swap3A], %select_n3A_410 {strides = array<i32>} : memref<3136xi32, #tpu.memory_space<vmem>>, vector<16xi32>,
        %add3A_414 = arith.constant 1 : i32
        %add3A_415 = arith.addi %while3A_364, %add3A_414 : i32
        scf.yield %add3A_415, %broadcast_in_dim3A_117, %broadcast_in_dim3A_117 : i32, vector<16xi32>, vector<16xi32>
      }
      %min3A_303 = arith.constant 195 : i32
      %min3A_304 = arith.minsi %while3A_302#0, %min3A_303 : i32
      %mul3A_305 = arith.constant 16 : i32
      %mul3A_306 = arith.muli %min3A_304, %mul3A_305 : i32
      %add3A_307 = arith.addi %sub3A_21, %mul3A_306 : i32
      %get3A_308 = arith.index_cast %add3A_307 : i32 to index
      %get3A_309 = tpu.vector_load %arg6[%get3A_308] {strides = array<i32>} : memref<3152xi32, #tpu.memory_space<vmem>>, vector<16xi32>,
      %mul3A_310 = arith.constant 16 : i32
      %mul3A_311 = arith.muli %min3A_304, %mul3A_310 : i32
      %add3A_312 = arith.addi %sub3A_21, %mul3A_311 : i32
      %add3A_313 = arith.constant 1 : i32
      %add3A_314 = arith.addi %add3A_312, %add3A_313 : i32
      %get3A_315 = arith.index_cast %add3A_314 : i32 to index
      %get3A_316 = tpu.vector_load %arg6[%get3A_315] {strides = array<i32>} : memref<3152xi32, #tpu.memory_space<vmem>>, vector<16xi32>,
      %min3A_317 = vector.broadcast %squeeze3A_34 : i32 to vector<16xi32>
      %min3A_318 = arith.minsi %get3A_309, %min3A_317 : vector<16xi32>
      %min3A_319 = vector.broadcast %squeeze3A_34 : i32 to vector<16xi32>
      %min3A_320 = arith.minsi %get3A_316, %min3A_319 : vector<16xi32>
      %lt3A_321 = arith.constant 196 : i32
      %lt3A_322 = arith.cmpi slt, %while3A_302#0, %lt3A_321 : i32
      %max3A_323 = vector.broadcast %add3A_298 : i32 to vector<16xi32>
      %max3A_324 = arith.maxsi %min3A_318, %max3A_323 : vector<16xi32>
      %min3A_325 = vector.broadcast %min3A_301 : i32 to vector<16xi32>
      %min3A_326 = arith.minsi %min3A_320, %min3A_325 : vector<16xi32>
      %select_n3A_327 = arith.select %lt3A_322, %min3A_326, %max3A_324 : vector<16xi32>
      %sub3A_328 = arith.subi %select_n3A_327, %max3A_324 : vector<16xi32>
      %max3A_329 = arith.constant 0 : i32
      %max3A_330 = vector.broadcast %max3A_329 : i32 to vector<16xi32>
      %max3A_331 = arith.maxsi %sub3A_328, %max3A_330 : vector<16xi32>
      %reduce_max3A_332 = arith.constant true
      %reduce_max3A_333 = vector.broadcast %reduce_max3A_332 : i1 to vector<16xi1>
      %reduce_max3A_334 = arith.constant -2147483648 : i32
      %reduce_max3A_335 = vector.broadcast %reduce_max3A_334 : i32 to vector<16xi32>
      %reduce_max3A_336 = arith.xori %max3A_331, %reduce_max3A_335 : vector<16xi32>
      %reduce_max3A_337 = tpu.scan <max>, %reduce_max3A_336 masked %reduce_max3A_333 : vector<16xi32>, vector<16xi1> -> vector<16xi32>
      %reduce_max3A_338 = arith.xori %reduce_max3A_337, %reduce_max3A_335 : vector<16xi32>
      %reduce_max3A_339 = vector.extract %reduce_max3A_338[15] : i32 from vector<16xi32>
      %while3A_340 = arith.constant 0 : i32
      %while3A_341 = arith.subi %reduce_max3A_339, %while3A_340 : i32
      %while3A_342 = arith.addi %while3A_340, %while3A_341 : i32
      %while3A_343 = arith.constant 1 : i32
      %while3A_344 = arith.divsi %while3A_341, %while3A_343 : i32
      %while3A_345 = arith.muli %while3A_344, %while3A_343 : i32
      %while3A_346 = arith.addi %while3A_340, %while3A_345 : i32
      %while3A_347 = arith.constant 1 : i32
      %while3A_348:2 = scf.for %while3A_364 = %while3A_340 to %while3A_346 step %while3A_347 iter_args(%while3A_365 = %while3A_302#1, %while3A_366 = %while3A_302#2) -> (vector<16xi32>, vector<16xi32>)  : i32 {
        %add3A_367 = vector.broadcast %while3A_364 : i32 to vector<16xi32>
        %add3A_368 = arith.addi %max3A_324, %add3A_367 : vector<16xi32>
        %lt3A_369 = arith.cmpi slt, %add3A_368, %select_n3A_327 : vector<16xi32>
        %sub3A_370 = vector.broadcast %add3A_298 : i32 to vector<16xi32>
        %sub3A_371 = arith.subi %add3A_368, %sub3A_370 : vector<16xi32>
        %jit3A_372 = arith.constant 0 : i32
        %broadcast_in_dim3A_373 = vector.broadcast %jit3A_372 : i32 to vector<16xi32>
        %select_n3A_374 = arith.select %lt3A_369, %sub3A_371, %broadcast_in_dim3A_373 : vector<16xi1>, vector<16xi32>
        %gather3A = tpu.vector_load_idx %arg10[%select_n3A_374] : memref<4112xi32, #tpu.memory_space<vmem>>[vector<16xi32>], vector<16xi32>,
        %gather3A_375 = tpu.vector_load_idx %arg9[%select_n3A_374] : memref<4112xi32, #tpu.memory_space<vmem>>[vector<16xi32>], vector<16xi32>,
        %jit3A_376 = arith.constant 2147483647 : i32
        %broadcast_in_dim3A_377 = vector.broadcast %jit3A_376 : i32 to vector<16xi32>
        %select_n3A_378 = arith.select %lt3A_369, %gather3A, %broadcast_in_dim3A_377 : vector<16xi1>, vector<16xi32>
        %lt3A_379 = arith.cmpi slt, %select_n3A_378, %while3A_365 : vector<16xi32>
        %select_n3A_380 = arith.select %lt3A_379, %select_n3A_378, %while3A_365 : vector<16xi1>, vector<16xi32>
        %select_n3A_381 = arith.select %lt3A_379, %gather3A_375, %while3A_366 : vector<16xi1>, vector<16xi32>
        scf.yield %select_n3A_380, %select_n3A_381 : vector<16xi32>, vector<16xi32>
      }
      %while3A_349 = arith.constant 1 : i32
      %while3A_350:2 = scf.for %while3A_364 = %while3A_346 to %while3A_342 step %while3A_349 iter_args(%while3A_365 = %while3A_348#0, %while3A_366 = %while3A_348#1) -> (vector<16xi32>, vector<16xi32>)  : i32 {
        %add3A_367 = vector.broadcast %while3A_364 : i32 to vector<16xi32>
        %add3A_368 = arith.addi %max3A_324, %add3A_367 : vector<16xi32>
        %lt3A_369 = arith.cmpi slt, %add3A_368, %select_n3A_327 : vector<16xi32>
        %sub3A_370 = vector.broadcast %add3A_298 : i32 to vector<16xi32>
        %sub3A_371 = arith.subi %add3A_368, %sub3A_370 : vector<16xi32>
        %jit3A_372 = arith.constant 0 : i32
        %broadcast_in_dim3A_373 = vector.broadcast %jit3A_372 : i32 to vector<16xi32>
        %select_n3A_374 = arith.select %lt3A_369, %sub3A_371, %broadcast_in_dim3A_373 : vector<16xi1>, vector<16xi32>
        %gather3A = tpu.vector_load_idx %arg10[%select_n3A_374] : memref<4112xi32, #tpu.memory_space<vmem>>[vector<16xi32>], vector<16xi32>,
        %gather3A_375 = tpu.vector_load_idx %arg9[%select_n3A_374] : memref<4112xi32, #tpu.memory_space<vmem>>[vector<16xi32>], vector<16xi32>,
        %jit3A_376 = arith.constant 2147483647 : i32
        %broadcast_in_dim3A_377 = vector.broadcast %jit3A_376 : i32 to vector<16xi32>
        %select_n3A_378 = arith.select %lt3A_369, %gather3A, %broadcast_in_dim3A_377 : vector<16xi1>, vector<16xi32>
        %lt3A_379 = arith.cmpi slt, %select_n3A_378, %while3A_365 : vector<16xi32>
        %select_n3A_380 = arith.select %lt3A_379, %select_n3A_378, %while3A_365 : vector<16xi1>, vector<16xi32>
        %select_n3A_381 = arith.select %lt3A_379, %gather3A_375, %while3A_366 : vector<16xi1>, vector<16xi32>
        scf.yield %select_n3A_380, %select_n3A_381 : vector<16xi32>, vector<16xi32>
      }
      %add3A_351 = arith.constant 3 : i32
      %add3A_352 = arith.addi %mul3A_183, %add3A_351 : i32
      %mul3A_353 = arith.constant 4096 : i32
      %mul3A_354 = arith.muli %add3A_352, %mul3A_353 : i32
      %add3A_355 = arith.addi %mul3A_60, %mul3A_354 : i32
      %min3A_356 = arith.constant 1600016 : i32
      %min3A_357 = arith.minsi %add3A_355, %min3A_356 : i32
      %dma_start3A_358 = arith.constant 0 : i32
      %dma_start3A_359 = tpu.memref_slice %arg9[%dma_start3A_358] : memref<4112xi32, #tpu.memory_space<vmem>> -> memref<4096xi32, #tpu.memory_space<vmem>>
      %dma_start3A_360 = tpu.memref_slice %arg3[%min3A_357] : memref<1604112xi32, #tpu.memory_space<hbm>> -> memref<4096xi32, #tpu.memory_space<hbm>>
      %dma_start3A_361 = arith.constant 0 : i32
      %dma_start3A_362 = tpu.memref_slice %arg9[%dma_start3A_361] : memref<4112xi32, #tpu.memory_space<vmem>> -> memref<4096xi32, #tpu.memory_space<vmem>>
      %dma_start3A_363 = tpu.memref_slice %arg3[%min3A_357] : memref<1604112xi32, #tpu.memory_space<hbm>> -> memref<4096xi32, #tpu.memory_space<hbm>>
      tpu.enqueue_dma source(%dma_start3A_363 : memref<4096xi32, #tpu.memory_space<hbm>>) target(%dma_start3A_362 : memref<4096xi32, #tpu.memory_space<vmem>>) target_semaphore(%arg15 : memref<!tpu.dma_semaphore, #tpu.memory_space<semaphore_mem>>)
      scf.yield %while3A_302#0, %while3A_350#0, %while3A_350#1 : i32, vector<16xi32>, vector<16xi32>
    }
    %dma_wait3A_160 = arith.constant 0 : i32
    %dma_wait3A_161 = tpu.memref_slice %arg8[%dma_wait3A_160] : memref<4112xi32, #tpu.memory_space<vmem>> -> memref<4096xi32, #tpu.memory_space<vmem>>
    %dma_wait3A_162 = arith.constant 0 : i32
    %dma_wait3A_163 = tpu.memref_slice %arg3[%dma_wait3A_162] : memref<1604112xi32, #tpu.memory_space<hbm>> -> memref<4096xi32, #tpu.memory_space<hbm>>
    %dma_wait3A_164 = arith.constant 0 : i32
    %dma_wait3A_165 = tpu.memref_slice %arg8[%dma_wait3A_164] : memref<4112xi32, #tpu.memory_space<vmem>> -> memref<4096xi32, #tpu.memory_space<vmem>>
    %dma_wait3A_166 = arith.constant 0 : i32
    %dma_wait3A_167 = tpu.memref_slice %arg3[%dma_wait3A_166] : memref<1604112xi32, #tpu.memory_space<hbm>> -> memref<4096xi32, #tpu.memory_space<hbm>>
    tpu.wait_dma2 semaphore(%arg14 : memref<!tpu.dma_semaphore, #tpu.memory_space<semaphore_mem>>) src(%dma_wait3A_167 : memref<4096xi32, #tpu.memory_space<hbm>>) dst(%dma_wait3A_165 : memref<4096xi32, #tpu.memory_space<vmem>>)
    %dma_wait3A_168 = arith.constant 0 : i32
    %dma_wait3A_169 = tpu.memref_slice %arg9[%dma_wait3A_168] : memref<4112xi32, #tpu.memory_space<vmem>> -> memref<4096xi32, #tpu.memory_space<vmem>>
    %dma_wait3A_170 = arith.constant 0 : i32
    %dma_wait3A_171 = tpu.memref_slice %arg3[%dma_wait3A_170] : memref<1604112xi32, #tpu.memory_space<hbm>> -> memref<4096xi32, #tpu.memory_space<hbm>>
    %dma_wait3A_172 = arith.constant 0 : i32
    %dma_wait3A_173 = tpu.memref_slice %arg9[%dma_wait3A_172] : memref<4112xi32, #tpu.memory_space<vmem>> -> memref<4096xi32, #tpu.memory_space<vmem>>
    %dma_wait3A_174 = arith.constant 0 : i32
    %dma_wait3A_175 = tpu.memref_slice %arg3[%dma_wait3A_174] : memref<1604112xi32, #tpu.memory_space<hbm>> -> memref<4096xi32, #tpu.memory_space<hbm>>
    tpu.wait_dma2 semaphore(%arg15 : memref<!tpu.dma_semaphore, #tpu.memory_space<semaphore_mem>>) src(%dma_wait3A_175 : memref<4096xi32, #tpu.memory_space<hbm>>) dst(%dma_wait3A_173 : memref<4096xi32, #tpu.memory_space<vmem>>)
    %mul3A_176 = arith.constant 3136 : i32
    %mul3A_177 = arith.muli %add3A, %mul3A_176 : i32
    "tpu.region"() ({
      %run_scoped3A = tpu.sem_alloc : memref<!tpu.dma_semaphore, #tpu.memory_space<semaphore_mem>>
      %dma_start3A_178 = tpu.memref_slice %arg5[%mul3A_177] : memref<100352xi32, #tpu.memory_space<hbm>> -> memref<3136xi32, #tpu.memory_space<hbm>>
      %dma_start3A_179 = tpu.memref_slice %arg5[%mul3A_177] : memref<100352xi32, #tpu.memory_space<hbm>> -> memref<3136xi32, #tpu.memory_space<hbm>>
      tpu.enqueue_dma source(%arg11 : memref<3136xi32, #tpu.memory_space<vmem>>) target(%dma_start3A_179 : memref<3136xi32, #tpu.memory_space<hbm>>) target_semaphore(%run_scoped3A : memref<!tpu.dma_semaphore, #tpu.memory_space<semaphore_mem>>)
      %dma_wait3A_180 = tpu.memref_slice %arg5[%mul3A_177] : memref<100352xi32, #tpu.memory_space<hbm>> -> memref<3136xi32, #tpu.memory_space<hbm>>
      %dma_wait3A_181 = tpu.memref_slice %arg5[%mul3A_177] : memref<100352xi32, #tpu.memory_space<hbm>> -> memref<3136xi32, #tpu.memory_space<hbm>>
      tpu.wait_dma2 semaphore(%run_scoped3A : memref<!tpu.dma_semaphore, #tpu.memory_space<semaphore_mem>>) src(%arg11 : memref<3136xi32, #tpu.memory_space<vmem>>) dst(%dma_wait3A_181 : memref<3136xi32, #tpu.memory_space<hbm>>)
      tpu.yield
    }) : () -> ()
    return
  }
}

</mosaic_0001>

<sc_bundles>
// kernel: kernel.3.cloned.1.call-start
scs
__scs_entry_jumppad:
0x0: {  	(pc) =	sbr.rel $0x88, $3  }
0x1: {  	(tag) =	ssettag $0x0;
	lr =	simm.s32 $0x1  }
0x2: {  	[smem:$0x3F9E] =	sst lr;
	_ =	strace $0xD0000000  }
0x3: {  	_ = 	snop  }
0x4: {  	_ = 	snop  }
0x5: {  	_ = 	snop  }
0x6: {  	_ = 	snop  }
0x7: {  	_ = 	snop  }
__scs_overlays_trampoline_lowered:
0x8: {  	[smem:$0x3FAD] =	sst s0  }
0x9: {  	[smem:$0x3FAE] =	sst s1  }
0xa: {  	[smem:$0x3FAF] =	sst s2  }
0xb: {  	[smem:$0x3FB0] =	sst s3  }
0xc: {  	[smem:$0x3FB1] =	sst s4  }
0xd: {  	[smem:$0x3FB2] =	sst s5  }
0xe: {  	[smem:$0x3FB3] =	sst s6  }
0xf: {  	[smem:$0x3FB4] =	sst s7  }
0x10: {  	[smem:$0x3FB5] =	sst s8  }
0x11: {  	[smem:$0x3FB6] =	sst s9;
	s0 =	simm.s32 @!p0 $0x0  }
0x12: {  	s1 =	sld [smem:$0x3F9C];
	s0 =	simm.s32 @p0 $0x1  }
0x13: {  	[smem:$0x3FB7] =	sst s0;
	s0 =	simm.s32 @!p1 $0x0  }
0x14: {  	s2 =	sld [smem:$0x3F9B];
	s0 =	simm.s32 @p1 $0x1  }
0x15: {  	[smem:$0x3FB8] =	sst s0;
	s0 =	simm.s32 @!p2 $0x0  }
0x16: {  	s3 =	sld [smem:$0x3FDB];
	s0 =	simm.s32 @p2 $0x1  }
0x17: {  	s4 =	simm.s32 $0x1BF5;
	[smem:$0x3FBA] =	sst s0  }
0x18: {  	s0 =	sld [smem:$0x3F9D];
	_ =	swait.ge [sflag:s4], $0x0  }
0x19: {  	s7 =	sld [smem:$0x3F9E]  }
0x1a: {  	s8 =	sadd.s32 $0xFFFFE003, lr  }
0x1b: {  	s9 =	sadd.s32 $0xFFFFFEF7, lr;
	s5 =	simm.s32 $0xFFFFFFFF;
	p2 =	slt.u32 s8, $0xFFFFF086  }
0x1c: {  	p1 =	slt.u32 s9, $0xF7A;
	s5 =	simm.s32 @!p2 $0x0  }
0x1d: {  	s5 =	simm.s32 @p1 $0x1;
	p0 =	seq.s32 s7, s2  }
0x1e: {  	s7 =	smul.u32 @!p0 $0xF7A, s2;
	p2 =	seq.s32 @!p0 s5, $0x0  }
0x1f: {  	s9 =	smul.u32 $0xF7A, s1;
	s8 =	simm.s32 @!p0 $0x1BF5;
	p2 =	por !p2, p0  }
0x20: {  	[sflag:s8] =	ssyncset.s32 @!p0 $0xFFFFF086;
	s6 =	sadd.s32 @!p0 s3, s7;
	s7 =	simm.s32 @!p0 $0x108  }
0x21: {  	s3 =	sadd.s32 s3, s9;
	s6 =	sadd.s32 @!p0 $0x88, s6;
	s7 =	simm.s32 @p2 $0x1082  }
0x22: {  	[simem:s7], [sflag:s8] =	dma.local @!p0 [hbm:s6], $0xF7A  }
0x23: {  	s9 =	sor.u32 $0xD0000000, s2;
	s6 =	simm.s32 $0x108;
	_ =	swait.ge @!p0 [sflag:s8], $0x0  }
0x24: {  	s3 =	sadd.s32 $0x88, s3;
	s6 =	simm.s32 @!p1 $0x1082;
	[sflag:s4] =	ssyncset.s32 $0xFFFFF086  }
0x25: {  	[simem:s6], [sflag:s4] =	dma.local [hbm:s3], $0xF7A  }
0x26: {  	[smem:$0x3F9E] =	sst s1;
	(tag) =	ssettag s2;
	_ =	strace s9  }
0x27: {  	s1 =	sld [smem:$0x3FAE]  }
0x28: {  	s2 =	sld [smem:$0x3FAF]  }
0x29: {  	s4 =	sld [smem:$0x3FB1]  }
0x2a: {  	p0 =	seq.s32 s5, $0x0;
	s5 =	sld [smem:$0x3FB2]  }
0x2b: {  	s6 =	sld [smem:$0x3FB3]  }
0x2c: {  	s7 =	sld [smem:$0x3FB4]  }
0x2d: {  	s3 =	simm.s32 $0x108;
	s8 =	sld [smem:$0x3FB5]  }
0x2e: {  	s3 =	simm.s32 @!p0 $0x1082;
	s9 =	sld [smem:$0x3FB6]  }
0x2f: {  	lr =	sadd.s32 s0, s3;
	s0 =	sld [smem:$0x3FAD]  }
0x30: {  	s3 =	sld [smem:$0x3FB0]  }
0x31: {  	[smem:$0x3FB9] =	sst s10  }
0x32: {  	s10 =	sld [smem:$0x3FB7];
	_ =	sdelay $0x3  }
0x33: {  	p0 =	seq.s32 s10, $0x1;
	s10 =	sld [smem:$0x3FB9];
	_ =	sdelay $0x3  }
0x34: {  	[smem:$0x3FB9] =	sst s10  }
0x35: {  	s10 =	sld [smem:$0x3FB8];
	_ =	sdelay $0x3  }
0x36: {  	p1 =	seq.s32 s10, $0x1;
	s10 =	sld [smem:$0x3FB9];
	_ =	sdelay $0x3  }
0x37: {  	[smem:$0x3FB9] =	sst s10  }
0x38: {  	s10 =	sld [smem:$0x3FBA]  }
0x39: {  	_ = 	snop;
	(pc) =	sbr.ind lr, $3  }
0x3a: {  	_ = 	snop  }
0x3b: {  	_ = 	snop  }
0x3c: {  	p2 =	seq.s32 s10, $0x1;
	s10 =	sld [smem:$0x3FB9]  }
0x3d: {  	_ =	shalt  }
0x3e: {  	_ =	shalt  }
0x3f: {  	_ =	shalt  }
0x40: {  	_ =	shalt  }
0x41: {  	_ =	shalt  }
0x42: {  	_ =	shalt  }
0x43: {  	_ =	shalt  }
0x44: {  	_ =	shalt  }
0x45: {  	_ =	shalt  }
0x46: {  	_ =	shalt  }
0x47: {  	_ =	shalt  }
0x48: {  	_ =	shalt  }
0x49: {  	_ =	shalt  }
0x4a: {  	_ =	shalt  }
0x4b: {  	_ =	shalt  }
0x4c: {  	_ =	shalt  }
0x4d: {  	_ =	shalt  }
0x4e: {  	_ =	shalt  }
0x4f: {  	_ =	shalt  }
0x50: {  	_ =	shalt  }
0x51: {  	_ =	shalt  }
0x52: {  	_ =	shalt  }
0x53: {  	_ =	shalt  }
0x54: {  	_ =	shalt  }
0x55: {  	_ =	shalt  }
0x56: {  	_ =	shalt  }
0x57: {  	_ =	shalt  }
0x58: {  	_ =	shalt  }
0x59: {  	_ =	shalt  }
0x5a: {  	_ =	shalt  }
0x5b: {  	_ =	shalt  }
0x5c: {  	_ =	shalt  }
0x5d: {  	_ =	shalt  }
0x5e: {  	_ =	shalt  }
0x5f: {  	_ =	shalt  }
0x60: {  	_ =	shalt  }
0x61: {  	_ =	shalt  }
0x62: {  	_ =	shalt  }
0x63: {  	_ =	shalt  }
0x64: {  	_ =	shalt  }
0x65: {  	_ =	shalt  }
0x66: {  	_ =	shalt  }
0x67: {  	_ =	shalt  }
0x68: {  	_ =	shalt  }
0x69: {  	_ =	shalt  }
0x6a: {  	_ =	shalt  }
0x6b: {  	_ =	shalt  }
0x6c: {  	_ =	shalt  }
0x6d: {  	_ =	shalt  }
0x6e: {  	_ =	shalt  }
0x6f: {  	_ =	shalt  }
0x70: {  	_ =	shalt  }
0x71: {  	_ =	shalt  }
0x72: {  	_ =	shalt  }
0x73: {  	_ =	shalt  }
0x74: {  	_ =	shalt  }
0x75: {  	_ =	shalt  }
0x76: {  	_ =	shalt  }
0x77: {  	_ =	shalt  }
0x78: {  	_ =	shalt  }
0x79: {  	_ =	shalt  }
0x7a: {  	_ =	shalt  }
0x7b: {  	_ =	shalt  }
0x7c: {  	_ =	shalt  }
0x7d: {  	_ =	shalt  }
0x7e: {  	_ =	shalt  }
0x7f: {  	_ =	shalt  }
0x80: {  	_ =	shalt  }
0x81: {  	_ =	shalt  }
0x82: {  	_ =	shalt  }
0x83: {  	_ =	shalt  }
0x84: {  	_ =	shalt  }
0x85: {  	_ =	shalt  }
0x86: {  	_ =	shalt  }
0x87: {  	_ =	shalt  }
.Lfunc_end0:
.L_simem_size_0:
called_computation_lowered:
.L_overlay_start_0:
0x88: {  	s2 =	sld [smem:$0x3FD9]  }
0x89: {  	s3 =	sld [smem:$0x3FFE];
	_ =	sdelay $0x1  }
0x8a: {  	s1 =	srdreg.scid  }
0x8b: {  	s0 =	sand.u32 $0x1, s1  }
0x8c: {  	s17 =	sshll.u32 s0, $0xA;
	s2 =	sadd.s32 s3, s2  }
0x8d: {  	s2 =	sadd.s32 s2, s17  }
0x8e: {  	[smem:$0x3FC5] =	sst s2  }
0x8f: {  	_ = 	snop  }
0x90: {  	s2 =	sld [smem:$0x3FC7]  }
0x91: {  	s18 =	sld [smem:$0x3FD0];
	(tm) =	ssettm $0x1  }
0x92: {  	s4 =	sld [smem:$0x3FFB];
	_ =	sdelay $0x3  }
0x93: {  	_ =	strace s4  }
0x94: {  	s4 =	sld [smem:$0x3FFC];
	_ =	sdelay $0x3  }
0x95: {  	_ =	strace s4  }
0x96: {  	s4 =	sld [smem:$0x3FFD];
	_ =	sdelay $0x3  }
0x97: {  	_ =	strace s4  }
0x98: {  	_ =	strace $0x8FFFFFFF  }
0x99: {  	s19 =	sld [smem:$0x3FDB];
	_ =	sdelay $0x1  }
0x9a: {  	s5 =	simm.s32 $_scs_section_size  }
0x9b: {  	s6 =	simm.s32 $_size__tile_overlayer_lowered;
	s7 =	simm.s32 $_tile_overlayer_lowered  }
0x9c: {  	s22 =	simm.s32 $0x1BFF;
	s21 =	sshll.u32 s7, $0x1;
	s4 =	sadd.s32 s5, s19  }
0x9d: {  	s8 =	simm.s32 $0x0;
	s20 =	sshll.u32 s6, $0x1;
	s6 =	sadd.s32 s21, s4  }
0x9e: {  	[timem:s8], [sflag:s22] =	dma.local [hbm:s6], s20  }
0x9f: {  	_ =	swait.ge [sflag:s22], s20  }
0xa0: {  	s5 =	ssub.s32 $0x0, s20;
	[sflag:s22] =	ssyncset.done $0x0  }
0xa1: {  	[sflag:s22] =	ssyncadd.s32 s5;
	_ =	sdelay $0x1  }
0xa2: {  	s23 =	simm.s32 $0x1B8B  }
0xa3: {  	_ =	swait.ge [sflag:s23], $0x1  }
0xa4: {  	[sflag:s23] =	ssyncset.done $0x0  }
0xa5: {  	s25 =	simm.s32 $0x1B8E;
	s24 =	sld [smem:$0x3FFE];
	[sflag:s23] =	ssyncadd.s32 $0xFFFFFFFF  }
0xa6: {  	s26 =	simm.s32 $execute0_lowered;
	[smem:$0x3FD2] =	sst s25  }
0xa7: {  	s6 =	sshll.u32 s26, $0x1;
	_ =	strace $0x80000046;
	[dreg:$0x1] =	wrdreg $0xFFFFFFFF  }
0xa8: {  	s28 =	simm.s32 $_size_execute0_lowered;
	s4 =	sadd.s32 s4, s6;
	[dreg:$0x0] =	wrdreg $0x0  }
0xa9: {  	s6 =	sshll.u32 s28, $0x1;
	[dreg:$0x2] =	wrdreg s4  }
0xaa: {  	[dreg:$0x3] =	wrdreg s6  }
0xab: {  	[dreg:$0x4] =	wrdreg $0xC0  }
0xac: {  	_ =	task [dreg:s8], $0x5FFFF  }
0xad: {  	[dreg:$0x1] =	wrdreg $0xFFFFFFFF  }
0xae: {  	[dreg:$0x0] =	wrdreg $0x60  }
0xaf: {  	[dreg:$0x2] =	wrdreg s18  }
0xb0: {  	[dreg:$0x3] =	wrdreg s24  }
0xb1: {  	[dreg:$0x4] =	wrdreg s2  }
0xb2: {  	[dreg:$0x5] =	wrdreg $0x5B000  }
0xb3: {  	[dreg:$0x6] =	wrdreg $0x9  }
0xb4: {  	_ =	task.clear_ibuf [dreg:s8], $0x7FFFF;
	_ =	strace $0x90000046  }
0xb5: {  	s29 =	simm.s32 $0x9;
	_ =	strace $0x80000048  }
0xb6: {  	_ =	swait.ge [sflag:s29], $0x1  }
0xb7: {  	[sflag:s29] =	ssyncadd.s32 $0xFFFFFFFF  }
0xb8: {  	_ =	strace $0x90000048  }
0xb9: {  	_ =	sfence  }
0xba: {  	s30 =	sld [smem:$0x0];
	_ =	sdelay $0x2  }
0xbb: {  	s31 =	sshll.u32 s1, $0xD;
	s1 =	sshrl.u32 s1, $0x2  }
0xbc: {  	s3 =	sand.u32 $0x4000, s31;
	s1 =	sadd.s32 s1, s30  }
0xbd: {  	s0 =	sor.u32 s3, s0;
	s1 =	sshll.u32 s1, $0x11  }
0xbe: {  	s0 =	sor.u32 s1, s0  }
0xbf: {  	s0 =	sadd.s32 $0x8F2B, s0  }
0xc0: {  	[sflag:s0] =	ssyncadd.remote.s32 $0x1  }
0xc1: {  	_ =	sfence.sel $0xFFFF  }
0xc2: {  	[dreg:$0x0] =	wrdreg $0xFFFFFFFF;
	(pc) =	sbr.abs _section_cstart, $3  }
0xc3: {  	[dreg:$0x1] =	wrdreg $0xFFFFFFFF  }
0xc4: {  	_ =	task.clear_ibuf [dreg:s8], $0x2FFFF;
	_ =	strace $0x9FFFFFFF  }
0xc5: {  	(tm) =	ssettm $0x7FFFFFFF  }
tec
execute0_lowered:
.L_overlay_start_1:
0x0: {  	(tag) =	ssettag $0x1  }
0x1: {  	s0 =	rddreg [dreg:$0x0]  }
0x2: {  	s2 =	rddreg [dreg:$0x1]  }
0x3: {  	s6 =	rddreg [dreg:$0x2]  }
0x4: {  	s1 =	rddreg [dreg:$0x3];
	s3 =	srdreg.scid  }
0x5: {  	s10 =	stileid.u32;
	s11 =	simm.s32 $0xC80;
	s12 =	simm.s32 $0x5  }
0x6: {  	s13 =	simm.s32 $0x1;
	s14 =	simm.s32 $0x1000;
	s15 =	simm.s32 $0x1D00  }
0x7: {  	s16 =	simm.s32 $0x2D80;
	s17 =	simm.s32 $0x3;
	s18 =	simm.s32 $0x3E00  }
0x8: {  	s19 =	simm.s32 $0x2;
	s20 =	simm.s32 $0x4;
	s4 =	sand.u32 $0x1, s3  }
0x9: {  	s22 =	simm.s32 $0x0;
	s26 =	smul.u32 $0x61A80, s10;
	s5 =	sshll.u32 s4, $0x4  }
0xa: {  	s3 =	simm.s32 $0x0;
	s5 =	sor.u32 s10, s5;
	s10 =	smul.u32 $0x30D4, s10  }
0xb: {  	[smem:$0x7FF] =	sst s3;
	s8 =	ssub.s32 $0x2, s4;
	s7 =	smul.u32 $0x188, s5  }
0xc: {  	s4 =	sadd.s32 $0x400, s2;
	s9 =	sshrl.u32 s8, $0x1;
	s5 =	smul.u32 $0xC35, s5  }
.Ltmp0:
0xd: {  	_ =	strace $0x80000047;
	s8 =	ssub.s32 s8, s9;
	(pc) =	sbr.rel .LBB2_1-.Ltmp0, $4  }
0xe: {  	s30 =	sshrl.u32 s26, $0x2;
	s31 =	smax.u32 s8, $0x1;
	s28 =	sshrl.u32 s5, $0x3  }
0xf: {  	s2 =	sadd.s32 s7, s2;
	[dreg:$0x7] =	wrdreg s31;
	s0 =	sadd.s32 s0, s28  }
0x10: {  	s5 =	sand.u32 $0x7, s5;
	s29 =	sadd.s32 $0x31400, s2;
	[dreg:$0x5] =	wrdreg s0  }
0x11: {  	s9 =	sadd.s32 s30, s1;
	s10 =	sadd.s32 s10, s6;
	v0 =	vmov s5;
	[dreg:$0x6] =	wrdreg s29  }
.LBB2_53:
0x12: {  	_ =	swait.ge [sflag:s19], $0x1000  }
0x13: {  	[sflag:s19] =	ssyncset.done $0x0  }
0x14: {  	[sflag:s19] =	ssyncadd.s32 $0xFFFFF000  }
0x15: {  	_ =	swait.ge [sflag:s17], $0x1000  }
0x16: {  	[sflag:s17] =	ssyncset.done $0x0  }
0x17: {  	s2 =	simm.s32 $0x4E80;
	s0 =	rddreg [dreg:$0x6];
	[sflag:s17] =	ssyncadd.s32 $0xFFFFF000  }
0x18: {  	[hbm4b:s0+s3] =	stream.linear.scatter [tilespmem:s2], [sflag:$0x5], $0xC40, $0x38;
	[tilespmem:$0x1E1A0] =	vst v63  }
0x19: {  	_ =	swait.ge [sflag:s12], $0xC40  }
0x1a: {  	s22 =	sadd.s32 $0x1, s22;
	s31 =	rddreg [dreg:$0x7]  }
0x1b: {  	p0 =	sne.s32 s22, s31  }
.Ltmp1:
0x1c: {  	_ = 	snop;
	(pc) =	sbr.rel @!p0 .LBB2_54-.Ltmp1, $3  }
0x1d: {  	_ =	sdelay $0x1  }
0x1e: {  	[sflag:s12] =	ssyncset.done $0x0  }
0x1f: {  	[sflag:s12] =	ssyncadd.s32 $0xFFFFF3C0  }
.LBB2_1:
0x20: {  	s0 =	sadd.s32 $0x0, s10  }
0x21: {  	[tilespmem:s11], [sflag:$0x5] =	stream.linear.gather [hbm4b:s0+s3], $0xFA0, $0x38;
	[tilespmem:$0x1E1A0] =	vst v63  }
0x22: {  	_ =	swait.ge [sflag:s12], $0xFA0  }
0x23: {  	[sflag:s12] =	ssyncset.done $0x0  }
0x24: {  	[sflag:s12] =	ssyncadd.s32 $0xFFFFF060  }
0x25: {  	[spmem:s9] =	stream.linear.scatter [tilespmem:s11], [sflag:$0x5], $0xFA0, $0x38;
	[tilespmem:$0x1E1A0] =	vst v63  }
0x26: {  	s2 =	simm.s32 $0x1F4;
	_ =	swait.ge [sflag:s12], $0xFA0  }
0x27: {  	s6 =	simm.s32 $0x3E8;
	s0 =	sadd.s32 $0xFA0, s9;
	[sflag:s12] =	ssyncset.done $0x0  }
.LBB2_2:
0x28: {  	s21 =	sadd.s32 s2, s10  }
0x29: {  	[sflag:s12] =	ssyncadd.s32 $0xFFFFF060;
	s2 =	smov.u32 s6;
	s23 =	sadd.s32 $0x1F4, s6  }
0x2a: {  	[tilespmem:s11], [sflag:$0x5] =	stream.linear.gather [hbm4b:s21+s3], $0xFA0, $0x38;
	[tilespmem:$0x1E1A0] =	vst v63  }
0x2b: {  	p0 =	sne.s32 s6, $0x2EE0;
	_ =	swait.ge [sflag:s12], $0xFA0  }
.Ltmp2:
0x2c: {  	[sflag:s12] =	ssyncset.done $0x0;
	(pc) =	sbr.rel @p0 .LBB2_2-.Ltmp2, $4  }
0x2d: {  	[sflag:s12] =	ssyncadd.s32 $0xFFFFF060  }
0x2e: {  	[spmem:s0] =	stream.linear.scatter [tilespmem:s11], [sflag:$0x5], $0xFA0, $0x38;
	[tilespmem:$0x1E1A0] =	vst v63  }
0x2f: {  	_ =	swait.ge [sflag:s12], $0xFA0  }
0x30: {  	s6 =	smov.u32 s23;
	s0 =	sadd.s32 $0xFA0, s0;
	[sflag:s12] =	ssyncset.done $0x0  }
0x31: {  	s2 =	sadd.s32 s2, s10;
	[sflag:s12] =	ssyncadd.s32 $0xFFFFF060  }
0x32: {  	[tilespmem:s11], [sflag:$0x5] =	stream.linear.gather [hbm4b:s2+s3], $0xFA0, $0x38;
	[tilespmem:$0x1E1A0] =	vst v63  }
0x33: {  	_ =	swait.ge [sflag:s12], $0xFA0  }
0x34: {  	[sflag:s12] =	ssyncset.done $0x0  }
0x35: {  	[sflag:s12] =	ssyncadd.s32 $0xFFFFF060  }
0x36: {  	[spmem:s0] =	stream.linear.scatter [tilespmem:s11], [sflag:$0x5], $0xFA0, $0x38;
	[tilespmem:$0x1E1A0] =	vst v63  }
0x37: {  	_ =	swait.ge [sflag:s12], $0xFA0  }
0x38: {  	[sflag:s12] =	ssyncset.done $0x0  }
0x39: {  	s21 =	simm.s32 $0x0;
	s8 =	rddreg [dreg:$0x5];
	[sflag:s12] =	ssyncadd.s32 $0xFFFFF060  }
0x3a: {  	[tilespmem:s21], [sflag:$0x5] =	stream.linear.gather [hbm4b:s8+s21], $0xC50, $0x38;
	[tilespmem:$0x1E1A0] =	vst v63  }
0x3b: {  	_ =	swait.ge [sflag:s12], $0xC50  }
0x3c: {  	[sflag:s12] =	ssyncset.done $0x0  }
0x3d: {  	[sflag:s12] =	ssyncadd.s32 $0xFFFFF3B0  }
0x3e: {  	[bflag:$0x0] =	sbarrier.arrive $0xFFFF  }
0x3f: {  	v1 =	vld [tilespmem:s5+$0x0];
	_ =	sdelay $0x4  }
0x40: {  	(v2sf) =	vpush v1, $0x0;
	_ =	sdelay $0x1  }
0x41: {  	v1 =	vld [tilespmem:s5+$0xC35];
	_ =	sdelay $0x4  }
0x42: {  	(v2sf) =	vpush v1, $0x0;
	_ =	sdelay $0x7  }
0x43: {  	s23 =	spop (v2sf)  }
0x44: {  	s24 =	sand.u32 $0x7, s23  }
0x45: {  	s6 =	sshra.s32 s23, $0x1F;
	p0 =	slt.s32 s23, $0x1;
	p1 =	sne.s32 s24, $0x0  }
0x46: {  	s25 =	sshrl.u32 s6, $0x1D;
	p0 =	por !p0, !p1  }
0x47: {  	s2 =	simm.s32 $0x1;
	s0 =	sadd.s32 s25, s23;
	p0 =	por !p0, !p0  }
0x48: {  	s0 =	sshrl.u32 s0, $0x3;
	s2 =	simm.s32 @!p0 $0x0  }
0x49: {  	s0 =	ssub.s32 s0, s2  }
0x4a: {  	s23 =	spop (v2sf);
	s24 =	sshll.u32 s0, $0x3  }
0x4b: {  	s0 =	ssub.s32 s23, s24  }
0x4c: {  	p0 =	slt.s32 s24, $0x186A10;
	s2 =	smov.u32 s24;
	s0 =	sadd.s32 $0xFFF, s0  }
0x4d: {  	s2 =	simm.s32 @!p0 $0x186A10;
	s26 =	sshra.s32 s0, $0x1F  }
0x4e: {  	s2 =	sshrl.u32 s2, $0x3;
	s25 =	sand.u32 $0xFFF, s0;
	p5 =	slt.s32 s0, $0x1  }
0x4f: {  	s6 =	sshrl.u32 s26, $0x14;
	s2 =	sadd.s32 s4, s2;
	p6 =	sne.s32 s25, $0x0  }
0x50: {  	[tilespmem:s11], [sflag:$0x1] =	stream.linear.gather [hbm4b:s2+s21], $0x1000, $0x38;
	[tilespmem:$0x1E1A0] =	vst v63  }
0x51: {  	s0 =	sadd.s32 s6, s0;
	p0 =	por !p5, !p6;
	s2 =	simm.s32 $0x1  }
0x52: {  	s6 =	sadd.s32 $0x1000, s24;
	_ =	swait.ge [sflag:s13], $0x1000;
	p0 =	por !p0, !p0  }
0x53: {  	s0 =	sshra.s32 s0, $0xC;
	[sflag:s13] =	ssyncset.done $0x0;
	s2 =	simm.s32 @!p0 $0x0  }
0x54: {  	p0 =	slt.s32 s6, $0x186A10;
	[sflag:s13] =	ssyncadd.s32 $0xFFFFF000;
	s0 =	ssub.s32 s0, s2  }
0x55: {  	[tilespmem:s15], [sflag:$0x2] =	stream.indirect.gather [spmem:s1], $0x1, s11, s14, $0xb8;
	[tilespmem:$0x1E1A0] =	vst v63  }
.Ltmp3:
0x56: {  	s6 =	simm.s32 @!p0 $0x186A10;
	p1 =	sgt.s32 s0, $0x1;
	(pc) =	sbr.rel .LBB2_4-.Ltmp3, $4  }
0x57: {  	s31 =	sshrl.u32 s6, $0x3;
	s0 =	simm.s32 @!p1 $0x1  }
0x58: {  	s30 =	simm.s32 $0x0;
	s2 =	sadd.s32 s4, s31;
	s0 =	sadd.s32 $0x1, s0  }
0x59: {  	[tilespmem:s16], [sflag:$0x3] =	stream.linear.gather [hbm4b:s2+s21], $0x1000, $0x38;
	[tilespmem:$0x1E1A0] =	vst v63  }
0x5a: {  	v2 =	vimm.s32 $0x7FFFFFFF;
	v3 =	vimm.s32 $0x7FFFFFFF;
	v1 =	vbroadcast v1, $0x0;
	s28 =	sadd.s32 $0x2000, s24;
	s29 =	sadd.s32 $0x3000, s24;
	s26 =	sshrl.u32 s0, $0x1  }
.LBB2_44:
0x5b: {  	v9 =	vmov v3;
	v11 =	vmov v2  }
.LBB2_51:
0x5c: {  	_ =	sdelay $0x3  }
0x5d: {  	v5 =	vsel @p1 vm2, v10, v9;
	v6 =	vld.idx.msk [tilespmem:v7+s18+$0x0], $0xffff  }
0x5e: {  	v9 =	vnsel @p0 vm1, $0x7FFFFFFF, v14;
	v5 =	vpsel p1, v5, v3  }
0x5f: {  	v4 =	vsel @p1 vm2, v4, v11;
	vm0 =	vmmov vm0;
	v63 =	vld.idx.msk [tilespmem:v7+s16+$0x0], $0xffff;
	vm1 =	vlt.s32 @p0 v9, v5  }
0x60: {  	v8 =	vpsel p0, v8, v0;
	v9 =	vpsel p0, v9, v0;
	vm1 =	vmmov @p0 vm1  }
0x61: {  	vm0 =	vmmov vm0;
	v4 =	vpsel p1, v4, v2;
	v5 =	vsel @p0 vm1, v9, v5  }
0x62: {  	v4 =	vsel @p0 vm1, v8, v4;
	v6 =	vnsel vm0, $0x7FFFFFFF, v6;
	v3 =	vpsel p0, v5, v3  }
0x63: {  	v2 =	vpsel p0, v4, v2;
	vm0 =	vlt.s32 v6, v3  }
0x64: {  	v3 =	vsel vm0, v6, v3;
	v2 =	vsel vm0, v63, v2  }
.LBB2_52:
0x65: {  	s0 =	sadd.s32 s31, s29  }
0x66: {  	s30 =	sadd.s32 $0x1, s30;
	p0 =	slt.s32 s0, $0x186A10  }
0x67: {  	s0 =	simm.s32 @!p0 $0x186A10;
	p0 =	sne.s32 s30, s26  }
.Ltmp4:
0x68: {  	_ = 	snop;
	(pc) =	sbr.rel @!p0 .LBB2_53-.Ltmp4, $4  }
0x69: {  	_ = 	snop  }
0x6a: {  	s0 =	sshrl.u32 s0, $0x3  }
0x6b: {  	s0 =	sadd.s32 s4, s0  }
0x6c: {  	[tilespmem:s16], [sflag:$0x3] =	stream.linear.gather [hbm4b:s0+s3], $0x1000, $0x38;
	[tilespmem:$0x1E1A0] =	vst v63  }
.LBB2_4:
0x6d: {  	_ =	swait.ge [sflag:s17], $0x1000;
	s25 =	sadd.s32 $0x1, s21  }
0x6e: {  	[sflag:s17] =	ssyncset.done $0x0;
	p0 =	slt.s32 s25, $0xC4;
	s0 =	smov.u32 s25  }
0x6f: {  	[sflag:s17] =	ssyncadd.s32 $0xFFFFF000;
	s0 =	simm.s32 @!p0 $0xC4  }
0x70: {  	[tilespmem:s18], [sflag:$0x4] =	stream.indirect.gather [spmem:s1], $0x1, s16, s14, $0xb8;
	[tilespmem:$0x1E1A0] =	vst v63  }
0x71: {  	s0 =	sshll.u32 s0, $0x6;
	_ =	swait.ge [sflag:s19], $0x1000  }
0x72: {  	s0 =	sshra.s32 s0, $0x2;
	[sflag:s19] =	ssyncset.done $0x0  }
0x73: {  	s0 =	sor.u32 s0, s5;
	[sflag:s19] =	ssyncadd.s32 $0xFFFFF000  }
0x74: {  	v4 =	vld [tilespmem:s0+$0x0];
	_ =	sdelay $0x4  }
0x75: {  	(v2sf) =	vpush v4, $0x0;
	_ =	sdelay $0xe  }
0x76: {  	s31 =	sshll.u32 s30, $0xD;
	s2 =	spop (v2sf)  }
0x77: {  	s7 =	smov.u32 s23;
	s6 =	sadd.s32 s24, s31;
	p0 =	slt.s32 s2, s23  }
0x78: {  	p1 =	sgt.s32 s21, $0xC3;
	s0 =	sadd.s32 $0x1000, s6;
	s7 =	smov.u32 @p0 s2  }
0x79: {  	p0 =	slt.s32 @!p1 s0, s7  }
0x7a: {  	p0 =	por p1, p0  }
.Ltmp5:
0x7b: {  	_ = 	snop;
	(pc) =	sbr.rel @!p0 .LBB2_6-.Ltmp5, $2  }
0x7c: {  	_ =	sdelay $0x2  }
0x7d: {  	v4 =	vmov s6  }
.Ltmp6:
0x7e: {  	(pc) =	sbr.rel .LBB2_18-.Ltmp6, $3  }
0x7f: {  	_ =	sdelay $0x1  }
0x80: {  	p0 =	slt.s32 s21, $0xC4  }
0x81: {  	s21 =	smov.u32 @p1 s21;
	v3 =	vpsel p1, v3, v3;
	v2 =	vpsel p1, v2, v2;
	p0 =	por @!p1 p0, p0  }
.LBB2_8:
0x82: {  	v10 =	vmov v3;
	v12 =	vmov v2  }
.LBB2_15:
0x83: {  	_ =	sdelay $0x3  }
0x84: {  	v10 =	vsel @p1 vm2, v11, v10;
	v62 =	vld.idx.msk [tilespmem:v8+s15+$0x0], $0xffff  }
0x85: {  	v13 =	vnsel @p0 vm1, $0x7FFFFFFF, v15;
	v10 =	vpsel p1, v10, v3  }
0x86: {  	v7 =	vsel @p1 vm2, v7, v12;
	vm0 =	vmmov vm0;
	v8 =	vld.idx.msk [tilespmem:v8+s11+$0x0], $0xffff;
	vm1 =	vlt.s32 @p0 v13, v10  }
0x87: {  	v9 =	vpsel p0, v9, v0;
	v12 =	vpsel p0, v13, v0;
	vm1 =	vmmov @p0 vm1  }
0x88: {  	vm0 =	vmmov vm0;
	v7 =	vpsel p1, v7, v2;
	v10 =	vsel @p0 vm1, v12, v10  }
0x89: {  	v7 =	vsel @p0 vm1, v9, v7;
	v63 =	vnsel vm0, $0x7FFFFFFF, v62;
	v3 =	vpsel p0, v10, v3  }
0x8a: {  	v2 =	vpsel p0, v7, v2;
	vm0 =	vlt.s32 v63, v3  }
0x8b: {  	v2 =	vsel vm0, v8, v2  }
.LBB2_16:
0x8c: {  	s25 =	sadd.s32 $0x1, s21  }
0x8d: {  	p0 =	slt.s32 s25, $0xC4;
	s6 =	smov.u32 s25  }
0x8e: {  	s6 =	simm.s32 @!p0 $0xC4  }
0x8f: {  	vm0 =	vlt.s32 v5, v6;
	s6 =	sshll.u32 s6, $0x6  }
0x90: {  	v2 =	vnsel vm0, $0x0, v2;
	s6 =	sshra.s32 s6, $0x2  }
0x91: {  	[tilespmem:s2+$0x4E80] =	vst v2;
	s8 =	sor.u32 s6, s5  }
0x92: {  	v2 =	vld [tilespmem:s8+$0x0];
	_ =	sdelay $0x4  }
0x93: {  	(v2sf) =	vpush v2, $0x0;
	_ =	sdelay $0xe  }
0x94: {  	s2 =	spop (v2sf)  }
0x95: {  	s6 =	smov.u32 s23;
	p0 =	slt.s32 s2, s23  }
0x96: {  	p1 =	sgt.s32 s21, $0xC3;
	s6 =	smov.u32 @p0 s2  }
0x97: {  	p0 =	sge.s32 @!p1 s0, s6  }
0x98: {  	p0 =	por p1, !p0  }
.Ltmp7:
0x99: {  	_ = 	snop;
	(pc) =	sbr.rel @p0 .LBB2_17-.Ltmp7, $2  }
0x9a: {  	_ =	sdelay $0x2  }
0x9b: {  	v3 =	vimm.s32 $0x7FFFFFFF;
	v2 =	vimm.s32 $0x7FFFFFFF  }
.LBB2_6:
0x9c: {  	s2 =	sshll.u32 s21, $0x4  }
0x9d: {  	s6 =	sor.u32 s2, s5  }
0x9e: {  	v5 =	vld [tilespmem:s6+$0x0];
	_ =	sdelay $0x1  }
0x9f: {  	v6 =	vld [tilespmem:s6+$0x1];
	_ =	sdelay $0x2  }
0xa0: {  	vm0 =	vlt.s32 v5, v1  }
0xa1: {  	v7 =	vsel vm0, v5, v1  }
0xa2: {  	vm14 =	vlt.s32 v6, v1;
	vm1 =	vgt.s32 v7, v4  }
0xa3: {  	v6 =	vsel vm14, v6, v1;
	v7 =	vsel vm1, v7, v4  }
0xa4: {  	v8 =	vsub.s32 v6, v7  }
0xa5: {  	vm15 =	vgt.s32 v8, $0x0  }
0xa6: {  	v8 =	vnsel vm15, $0x0, v8  }
0xa7: {  	v8 =	vor.u32 $0x80000000, v8  }
0xa8: {  	(xrf0) =	vmax.scan.msk.u32 $0xffff, v8;
	_ =	sdelay $0x5  }
0xa9: {  	v8, _, _ =	vpop (xrf0)  }
0xaa: {  	(v2sf) =	vpush v8, $0xF;
	_ =	sdelay $0xe  }
0xab: {  	s21 =	spop (v2sf)  }
0xac: {  	s6 =	sxor.u32 $0x80000000, s21  }
0xad: {  	p0 =	slt.s32 s6, $0x1  }
.Ltmp8:
0xae: {  	_ = 	snop;
	(pc) =	sbr.rel @p0 .LBB2_16-.Ltmp8, $2  }
0xaf: {  	_ =	sdelay $0x2  }
0xb0: {  	s21 =	smov.u32 s25;
	s25 =	simm.s32 $0x0  }
0xb1: {  	p2 =	sne.s32 s6, $0x1  }
.Ltmp9:
0xb2: {  	_ = 	snop;
	(pc) =	sbr.rel @!p2 .LBB2_8-.Ltmp9, $4  }
0xb3: {  	_ = 	snop  }
0xb4: {  	v8 =	vadd.s32 s25, v7  }
0xb5: {  	vm0 =	vlt.s32 v8, v6;
	v8 =	vsub.s32 v8, v4  }
0xb6: {  	s25 =	simm.s32 $0x1;
	p0 =	por $0x0, $0x0;
	p1 =	por $0x0, $0x0;
	v8 =	vnsel vm0, $0x0, v8  }
0xb7: {  	_ =	sdelay $0x1  }
0xb8: {  	v9 =	vadd.s32 s25, v7;
	p2 =	sne.s32 s6, $0x2  }
.Ltmp10:
0xb9: {  	vm1 =	vmmov vm0;
	vm0 =	vlt.s32 v9, v6;
	v9 =	vsub.s32 v9, v4;
	(pc) =	sbr.rel @!p2 .LBB2_10-.Ltmp10, $2  }
0xba: {  	v14 =	vnsel vm0, $0x0, v9;
	v9 =	vld.idx.msk [tilespmem:v8+s11+$0x0], $0xffff;
	_ =	sdelay $0x2  }
0xbb: {  	v15 =	vld.idx.msk [tilespmem:v8+s15+$0x0], $0xffff;
	s25 =	simm.s32 $0x2;
	p0 =	por $0x1, $0x1;
	vm1 =	vmmov vm1  }
0xbc: {  	p2 =	sne.s32 s6, $0x3  }
.Ltmp11:
0xbd: {  	_ = 	snop;
	(pc) =	sbr.rel @!p2 .LBB2_12-.Ltmp11, $4  }
0xbe: {  	_ = 	snop  }
0xbf: {  	vm3 =	vmmov vm0;
	v8 =	vadd.s32 s25, v7  }
0xc0: {  	v13 =	vld.idx.msk [tilespmem:v14+s15+$0x0], $0xffff;
	vm0 =	vlt.s32 v8, v6;
	v8 =	vsub.s32 v8, v4;
	v11 =	vnsel vm1, $0x7FFFFFFF, v15  }
0xc1: {  	s25 =	simm.s32 $0x3;
	v14 =	vld.idx.msk [tilespmem:v14+s11+$0x0], $0xffff;
	p1 =	por $0x1, $0x1;
	v10 =	vmovc v3;
	v12 =	vmovc v2;
	v8 =	vnsel vm0, $0x0, v8;
	vm1 =	vmmov vm3;
	vm2 =	vlt.s32 v11, v3  }
.LBB2_13:
0xc2: {  	s7 =	smov.u32 s25;
	s25 =	sadd.s32 $0x1, s25  }
0xc3: {  	v10 =	vsel vm2, v11, v10;
	v12 =	vsel vm2, v9, v12;
	vm3 =	vmmov vm0;
	p2 =	sne.s32 s6, s25  }
.Ltmp12:
0xc4: {  	(pc) =	sbr.rel @p2 .LBB2_13-.Ltmp12, $4  }
0xc5: {  	_ = 	snop  }
0xc6: {  	v16 =	vadd.s32 s7, v7  }
0xc7: {  	vm0 =	vlt.s32 v16, v6;
	v15 =	vsub.s32 v16, v4;
	v11 =	vnsel vm1, $0x7FFFFFFF, v13;
	v13 =	vld.idx.msk [tilespmem:v8+s15+$0x0], $0xffff  }
0xc8: {  	vm1 =	vmmov vm3;
	vm2 =	vlt.s32 v11, v10;
	v9 =	vmovc v14;
	v14 =	vld.idx.msk [tilespmem:v8+s11+$0x0], $0xffff;
	v8 =	vnsel vm0, $0x0, v15  }
.Ltmp13:
0xc9: {  	_ = 	snop;
	(pc) =	sbr.rel .LBB2_15-.Ltmp13, $2  }
0xca: {  	_ =	sdelay $0x2  }
0xcb: {  	v7 =	vmov v9;
	v15 =	vmov v13;
	v9 =	vmov v14  }
.LBB2_10:
.Ltmp14:
0xcc: {  	(pc) =	sbr.rel .LBB2_15-.Ltmp14, $2  }
0xcd: {  	_ =	sdelay $0x2  }
0xce: {  	v10 =	vmov v3;
	v12 =	vmov v2;
	v8 =	vmov v14  }
.LBB2_12:
.Ltmp15:
0xcf: {  	_ = 	snop;
	(pc) =	sbr.rel .LBB2_15-.Ltmp15, $2  }
0xd0: {  	_ =	sdelay $0x2  }
0xd1: {  	v7 =	vmovc v9;
	v10 =	vmovc v3;
	v12 =	vmov v2;
	v15 =	vmov v13;
	v9 =	vmov v14  }
.LBB2_17:
0xd2: {  	p0 =	slt.s32 s21, $0xC4  }
0xd3: {  	s21 =	smov.u32 @p1 s21;
	v3 =	vpsel p1, $0x7FFFFFFF, v2;
	v2 =	vpsel p1, $0x7FFFFFFF, v2;
	p0 =	por @!p1 p0, p0  }
.LBB2_18:
0xd4: {  	p1 =	slt.s32 s21, $0xC3;
	s2 =	smov.u32 s21  }
0xd5: {  	s2 =	simm.s32 @!p1 $0xC3  }
0xd6: {  	s2 =	sshll.u32 s2, $0x6  }
0xd7: {  	s6 =	sshra.s32 s2, $0x2  }
0xd8: {  	s6 =	sor.u32 s6, s5  }
0xd9: {  	v5 =	vld [tilespmem:s6+$0x0]  }
0xda: {  	v6 =	vld [tilespmem:s6+$0x1];
	_ =	sdelay $0x4  }
0xdb: {  	p1 =	slt.s32 s0, s23;
	s6 =	smov.u32 s23;
	vm0 =	vlt.s32 v5, v1;
	vm1 =	vlt.s32 v6, v1  }
0xdc: {  	s6 =	smov.u32 @p1 s0;
	v5 =	vsel vm0, v5, v1;
	v6 =	vsel vm1, v6, v1  }
0xdd: {  	vm0 =	vgt.s32 v5, v4;
	vm1 =	vlt.s32 v6, s6  }
0xde: {  	v5 =	vsel vm0, v5, v4;
	v6 =	vnsel vm1, s6, v6  }
0xdf: {  	v6 =	vpsel p0, v6, v5  }
0xe0: {  	v7 =	vsub.s32 v6, v5  }
0xe1: {  	vm15 =	vgt.s32 v7, $0x0  }
0xe2: {  	v7 =	vnsel vm15, $0x0, v7  }
0xe3: {  	v7 =	vor.u32 $0x80000000, v7  }
0xe4: {  	(xrf0) =	vmax.scan.msk.u32 $0xffff, v7;
	_ =	sdelay $0x5  }
0xe5: {  	v7, _, _ =	vpop (xrf0)  }
0xe6: {  	(v2sf) =	vpush v7, $0xF;
	_ =	sdelay $0xe  }
0xe7: {  	s25 =	spop (v2sf)  }
0xe8: {  	s0 =	sxor.u32 $0x80000000, s25  }
0xe9: {  	p0 =	slt.s32 s0, $0x1  }
.Ltmp16:
0xea: {  	_ = 	snop;
	(pc) =	sbr.rel @p0 .LBB2_28-.Ltmp16, $2  }
0xeb: {  	_ =	sdelay $0x2  }
0xec: {  	s6 =	simm.s32 $0x0  }
0xed: {  	p2 =	sne.s32 s0, $0x1  }
.Ltmp17:
0xee: {  	_ = 	snop;
	(pc) =	sbr.rel @!p2 .LBB2_20-.Ltmp17, $4  }
0xef: {  	_ = 	snop  }
0xf0: {  	v7 =	vadd.s32 s6, v5  }
0xf1: {  	vm0 =	vlt.s32 v7, v6;
	v7 =	vsub.s32 v7, v4  }
0xf2: {  	s6 =	simm.s32 $0x1;
	p0 =	por $0x0, $0x0;
	p1 =	por $0x0, $0x0;
	v7 =	vnsel vm0, $0x0, v7  }
0xf3: {  	_ =	sdelay $0x1  }
0xf4: {  	v8 =	vadd.s32 s6, v5;
	p2 =	sne.s32 s0, $0x2  }
.Ltmp18:
0xf5: {  	vm1 =	vmmov vm0;
	vm0 =	vlt.s32 v8, v6;
	v8 =	vsub.s32 v8, v4;
	(pc) =	sbr.rel @!p2 .LBB2_22-.Ltmp18, $2  }
0xf6: {  	v13 =	vnsel vm0, $0x0, v8;
	v8 =	vld.idx.msk [tilespmem:v7+s11+$0x0], $0xffff;
	_ =	sdelay $0x2  }
0xf7: {  	v14 =	vld.idx.msk [tilespmem:v7+s15+$0x0], $0xffff;
	s6 =	simm.s32 $0x2;
	p0 =	por $0x1, $0x1;
	vm1 =	vmmov vm1  }
0xf8: {  	p2 =	sne.s32 s0, $0x3  }
.Ltmp19:
0xf9: {  	_ = 	snop;
	(pc) =	sbr.rel @!p2 .LBB2_24-.Ltmp19, $4  }
0xfa: {  	_ = 	snop  }
0xfb: {  	vm3 =	vmmov vm0;
	v7 =	vadd.s32 s6, v5  }
0xfc: {  	v12 =	vld.idx.msk [tilespmem:v13+s15+$0x0], $0xffff;
	vm0 =	vlt.s32 v7, v6;
	v7 =	vsub.s32 v7, v4;
	v10 =	vnsel vm1, $0x7FFFFFFF, v14  }
0xfd: {  	s6 =	simm.s32 $0x3;
	v13 =	vld.idx.msk [tilespmem:v13+s11+$0x0], $0xffff;
	p1 =	por $0x1, $0x1;
	v9 =	vmovc v3;
	v11 =	vmovc v2;
	v7 =	vnsel vm0, $0x0, v7;
	vm1 =	vmmov vm3;
	vm2 =	vlt.s32 v10, v3  }
.LBB2_25:
0xfe: {  	s7 =	smov.u32 s6;
	s6 =	sadd.s32 $0x1, s6  }
0xff: {  	v9 =	vsel vm2, v10, v9;
	v11 =	vsel vm2, v8, v11;
	vm3 =	vmmov vm0;
	p2 =	sne.s32 s0, s6  }
.Ltmp20:
0x100: {  	(pc) =	sbr.rel @p2 .LBB2_25-.Ltmp20, $4  }
0x101: {  	_ = 	snop  }
0x102: {  	v15 =	vadd.s32 s7, v5  }
0x103: {  	vm0 =	vlt.s32 v15, v6;
	v14 =	vsub.s32 v15, v4;
	v10 =	vnsel vm1, $0x7FFFFFFF, v12;
	v12 =	vld.idx.msk [tilespmem:v7+s15+$0x0], $0xffff  }
0x104: {  	vm1 =	vmmov vm3;
	vm2 =	vlt.s32 v10, v9;
	v8 =	vmovc v13;
	v13 =	vld.idx.msk [tilespmem:v7+s11+$0x0], $0xffff;
	v7 =	vnsel vm0, $0x0, v14  }
0x105: {  	_ =	sdelay $0x3  }
0x106: {  	v4 =	vmov v8;
	v14 =	vmov v12;
	v8 =	vmov v13  }
.LBB2_27:
0x107: {  	_ =	sdelay $0x3  }
0x108: {  	v5 =	vsel @p1 vm2, v10, v9;
	v6 =	vld.idx.msk [tilespmem:v7+s15+$0x0], $0xffff  }
0x109: {  	v9 =	vnsel @p0 vm1, $0x7FFFFFFF, v14;
	v5 =	vpsel p1, v5, v3  }
0x10a: {  	v4 =	vsel @p1 vm2, v4, v11;
	vm0 =	vmmov vm0;
	v63 =	vld.idx.msk [tilespmem:v7+s11+$0x0], $0xffff;
	vm1 =	vlt.s32 @p0 v9, v5  }
0x10b: {  	v8 =	vpsel p0, v8, v0;
	v9 =	vpsel p0, v9, v0;
	vm1 =	vmmov @p0 vm1  }
0x10c: {  	vm0 =	vmmov vm0;
	v4 =	vpsel p1, v4, v2;
	v5 =	vsel @p0 vm1, v9, v5  }
0x10d: {  	v4 =	vsel @p0 vm1, v8, v4;
	v6 =	vnsel vm0, $0x7FFFFFFF, v6;
	v3 =	vpsel p0, v5, v3  }
0x10e: {  	v2 =	vpsel p0, v4, v2;
	vm0 =	vlt.s32 v6, v3  }
0x10f: {  	v3 =	vsel vm0, v6, v3;
	v2 =	vsel vm0, v63, v2  }
.LBB2_28:
0x110: {  	s0 =	sadd.s32 s31, s28  }
0x111: {  	p0 =	slt.s32 s0, $0x186A10  }
0x112: {  	s0 =	simm.s32 @!p0 $0x186A10  }
0x113: {  	s0 =	sshrl.u32 s0, $0x3  }
0x114: {  	s0 =	sadd.s32 s4, s0  }
0x115: {  	[tilespmem:s11], [sflag:$0x1] =	stream.linear.gather [hbm4b:s0+s3], $0x1000, $0x38;
	[tilespmem:$0x1E1A0] =	vst v63  }
0x116: {  	s25 =	sadd.s32 $0x1, s21;
	_ =	swait.ge [sflag:s13], $0x1000  }
0x117: {  	p0 =	slt.s32 s25, $0xC4;
	s0 =	smov.u32 s25;
	[sflag:s13] =	ssyncset.done $0x0  }
0x118: {  	s0 =	simm.s32 @!p0 $0xC4;
	[sflag:s13] =	ssyncadd.s32 $0xFFFFF000  }
0x119: {  	[tilespmem:s15], [sflag:$0x2] =	stream.indirect.gather [spmem:s1], $0x1, s11, s14, $0xb8;
	[tilespmem:$0x1E1A0] =	vst v63  }
0x11a: {  	s0 =	sshll.u32 s0, $0x6;
	_ =	swait.ge [sflag:s20], $0x1000  }
0x11b: {  	s0 =	sshra.s32 s0, $0x2;
	[sflag:s20] =	ssyncset.done $0x0  }
0x11c: {  	s0 =	sor.u32 s0, s5;
	[sflag:s20] =	ssyncadd.s32 $0xFFFFF000  }
0x11d: {  	v4 =	vld [tilespmem:s0+$0x0];
	_ =	sdelay $0x4  }
0x11e: {  	(v2sf) =	vpush v4, $0x0;
	_ =	sdelay $0xe  }
0x11f: {  	s6 =	spop (v2sf)  }
0x120: {  	s7 =	sadd.s32 s31, s24;
	s8 =	smov.u32 s23;
	p0 =	slt.s32 s6, s23  }
0x121: {  	p1 =	sgt.s32 s21, $0xC3;
	s0 =	sadd.s32 $0x2000, s7;
	s8 =	smov.u32 @p0 s6  }
0x122: {  	p0 =	slt.s32 @!p1 s0, s8  }
0x123: {  	p0 =	por p1, p0  }
.Ltmp21:
0x124: {  	_ = 	snop;
	(pc) =	sbr.rel @!p0 .LBB2_30-.Ltmp21, $3  }
0x125: {  	_ =	sdelay $0x1  }
0x126: {  	s8 =	sadd.s32 $0x1000, s7  }
0x127: {  	v4 =	vmov s8  }
.Ltmp22:
0x128: {  	(pc) =	sbr.rel .LBB2_42-.Ltmp22, $3  }
0x129: {  	_ =	sdelay $0x1  }
0x12a: {  	p0 =	slt.s32 s21, $0xC4  }
0x12b: {  	s2 =	smov.u32 @p1 s2;
	s21 =	smov.u32 @p1 s21;
	v3 =	vpsel p1, v3, v3;
	v2 =	vpsel p1, v2, v2;
	p0 =	por @!p1 p0, p0  }
.LBB2_32:
0x12c: {  	v10 =	vmov v3;
	v12 =	vmov v2  }
.LBB2_39:
0x12d: {  	_ =	sdelay $0x3  }
0x12e: {  	v10 =	vsel @p1 vm2, v11, v10;
	v62 =	vld.idx.msk [tilespmem:v8+s18+$0x0], $0xffff  }
0x12f: {  	v13 =	vnsel @p0 vm1, $0x7FFFFFFF, v15;
	v10 =	vpsel p1, v10, v3  }
0x130: {  	v7 =	vsel @p1 vm2, v7, v12;
	vm0 =	vmmov vm0;
	v8 =	vld.idx.msk [tilespmem:v8+s16+$0x0], $0xffff;
	vm1 =	vlt.s32 @p0 v13, v10  }
0x131: {  	v9 =	vpsel p0, v9, v0;
	v12 =	vpsel p0, v13, v0;
	vm1 =	vmmov @p0 vm1  }
0x132: {  	vm0 =	vmmov vm0;
	v7 =	vpsel p1, v7, v2;
	v10 =	vsel @p0 vm1, v12, v10  }
0x133: {  	v7 =	vsel @p0 vm1, v9, v7;
	v63 =	vnsel vm0, $0x7FFFFFFF, v62;
	v3 =	vpsel p0, v10, v3  }
0x134: {  	v2 =	vpsel p0, v7, v2;
	vm0 =	vlt.s32 v63, v3  }
0x135: {  	v2 =	vsel vm0, v8, v2  }
.LBB2_40:
0x136: {  	s25 =	sadd.s32 $0x1, s21  }
0x137: {  	p0 =	slt.s32 s25, $0xC4;
	s6 =	smov.u32 s25  }
0x138: {  	s6 =	simm.s32 @!p0 $0xC4  }
0x139: {  	vm0 =	vlt.s32 v5, v6;
	s6 =	sshll.u32 s6, $0x6  }
0x13a: {  	v2 =	vnsel vm0, $0x0, v2;
	s6 =	sshra.s32 s6, $0x2  }
0x13b: {  	[tilespmem:s2+$0x4E80] =	vst v2;
	s8 =	sor.u32 s6, s5  }
0x13c: {  	v2 =	vld [tilespmem:s8+$0x0];
	_ =	sdelay $0x4  }
0x13d: {  	(v2sf) =	vpush v2, $0x0;
	_ =	sdelay $0xe  }
0x13e: {  	s2 =	spop (v2sf)  }
0x13f: {  	s6 =	smov.u32 s23;
	p0 =	slt.s32 s2, s23  }
0x140: {  	s6 =	smov.u32 @p0 s2;
	p0 =	sgt.s32 s21, $0xC3  }
0x141: {  	p1 =	sge.s32 @!p0 s0, s6  }
0x142: {  	p0 =	por p0, !p1  }
.Ltmp23:
0x143: {  	_ = 	snop;
	(pc) =	sbr.rel @p0 .LBB2_41-.Ltmp23, $2  }
0x144: {  	_ =	sdelay $0x2  }
0x145: {  	v3 =	vimm.s32 $0x7FFFFFFF;
	v2 =	vimm.s32 $0x7FFFFFFF  }
.LBB2_30:
0x146: {  	s2 =	sshll.u32 s21, $0x4  }
0x147: {  	s6 =	sor.u32 s2, s5  }
0x148: {  	v5 =	vld [tilespmem:s6+$0x0];
	_ =	sdelay $0x1  }
0x149: {  	v6 =	vld [tilespmem:s6+$0x1];
	_ =	sdelay $0x2  }
0x14a: {  	vm0 =	vlt.s32 v5, v1  }
0x14b: {  	v7 =	vsel vm0, v5, v1  }
0x14c: {  	vm14 =	vlt.s32 v6, v1;
	vm1 =	vgt.s32 v7, v4  }
0x14d: {  	v6 =	vsel vm14, v6, v1;
	v7 =	vsel vm1, v7, v4  }
0x14e: {  	v8 =	vsub.s32 v6, v7  }
0x14f: {  	vm15 =	vgt.s32 v8, $0x0  }
0x150: {  	v8 =	vnsel vm15, $0x0, v8  }
0x151: {  	v8 =	vor.u32 $0x80000000, v8  }
0x152: {  	(xrf0) =	vmax.scan.msk.u32 $0xffff, v8;
	_ =	sdelay $0x5  }
0x153: {  	v8, _, _ =	vpop (xrf0)  }
0x154: {  	(v2sf) =	vpush v8, $0xF;
	_ =	sdelay $0xe  }
0x155: {  	s21 =	spop (v2sf)  }
0x156: {  	s6 =	sxor.u32 $0x80000000, s21  }
0x157: {  	p0 =	slt.s32 s6, $0x1  }
.Ltmp24:
0x158: {  	_ = 	snop;
	(pc) =	sbr.rel @p0 .LBB2_40-.Ltmp24, $2  }
0x159: {  	_ =	sdelay $0x2  }
0x15a: {  	s21 =	smov.u32 s25;
	s25 =	simm.s32 $0x0  }
0x15b: {  	p2 =	sne.s32 s6, $0x1  }
.Ltmp25:
0x15c: {  	_ = 	snop;
	(pc) =	sbr.rel @!p2 .LBB2_32-.Ltmp25, $4  }
0x15d: {  	_ = 	snop  }
0x15e: {  	v8 =	vadd.s32 s25, v7  }
0x15f: {  	vm0 =	vlt.s32 v8, v6;
	v8 =	vsub.s32 v8, v4  }
0x160: {  	s25 =	simm.s32 $0x1;
	p0 =	por $0x0, $0x0;
	p1 =	por $0x0, $0x0;
	v8 =	vnsel vm0, $0x0, v8  }
0x161: {  	_ =	sdelay $0x1  }
0x162: {  	v9 =	vadd.s32 s25, v7;
	p2 =	sne.s32 s6, $0x2  }
.Ltmp26:
0x163: {  	vm1 =	vmmov vm0;
	vm0 =	vlt.s32 v9, v6;
	v9 =	vsub.s32 v9, v4;
	(pc) =	sbr.rel @!p2 .LBB2_34-.Ltmp26, $2  }
0x164: {  	v14 =	vnsel vm0, $0x0, v9;
	v9 =	vld.idx.msk [tilespmem:v8+s16+$0x0], $0xffff;
	_ =	sdelay $0x2  }
0x165: {  	v15 =	vld.idx.msk [tilespmem:v8+s18+$0x0], $0xffff;
	s25 =	simm.s32 $0x2;
	p0 =	por $0x1, $0x1;
	vm1 =	vmmov vm1  }
0x166: {  	p2 =	sne.s32 s6, $0x3  }
.Ltmp27:
0x167: {  	_ = 	snop;
	(pc) =	sbr.rel @!p2 .LBB2_36-.Ltmp27, $4  }
0x168: {  	_ = 	snop  }
0x169: {  	vm3 =	vmmov vm0;
	v8 =	vadd.s32 s25, v7  }
0x16a: {  	v13 =	vld.idx.msk [tilespmem:v14+s18+$0x0], $0xffff;
	vm0 =	vlt.s32 v8, v6;
	v8 =	vsub.s32 v8, v4;
	v11 =	vnsel vm1, $0x7FFFFFFF, v15  }
0x16b: {  	s25 =	simm.s32 $0x3;
	v14 =	vld.idx.msk [tilespmem:v14+s16+$0x0], $0xffff;
	p1 =	por $0x1, $0x1;
	v10 =	vmovc v3;
	v12 =	vmovc v2;
	v8 =	vnsel vm0, $0x0, v8;
	vm1 =	vmmov vm3;
	vm2 =	vlt.s32 v11, v3  }
.LBB2_37:
0x16c: {  	s7 =	smov.u32 s25;
	s25 =	sadd.s32 $0x1, s25  }
0x16d: {  	v10 =	vsel vm2, v11, v10;
	v12 =	vsel vm2, v9, v12;
	vm3 =	vmmov vm0;
	p2 =	sne.s32 s6, s25  }
.Ltmp28:
0x16e: {  	(pc) =	sbr.rel @p2 .LBB2_37-.Ltmp28, $4  }
0x16f: {  	_ = 	snop  }
0x170: {  	v16 =	vadd.s32 s7, v7  }
0x171: {  	vm0 =	vlt.s32 v16, v6;
	v15 =	vsub.s32 v16, v4;
	v11 =	vnsel vm1, $0x7FFFFFFF, v13;
	v13 =	vld.idx.msk [tilespmem:v8+s18+$0x0], $0xffff  }
0x172: {  	vm1 =	vmmov vm3;
	vm2 =	vlt.s32 v11, v10;
	v9 =	vmovc v14;
	v14 =	vld.idx.msk [tilespmem:v8+s16+$0x0], $0xffff;
	v8 =	vnsel vm0, $0x0, v15  }
.Ltmp29:
0x173: {  	_ = 	snop;
	(pc) =	sbr.rel .LBB2_39-.Ltmp29, $2  }
0x174: {  	_ =	sdelay $0x2  }
0x175: {  	v7 =	vmov v9;
	v15 =	vmov v13;
	v9 =	vmov v14  }
.LBB2_34:
.Ltmp30:
0x176: {  	(pc) =	sbr.rel .LBB2_39-.Ltmp30, $2  }
0x177: {  	_ =	sdelay $0x2  }
0x178: {  	v10 =	vmov v3;
	v12 =	vmov v2;
	v8 =	vmov v14  }
.LBB2_36:
.Ltmp31:
0x179: {  	_ = 	snop;
	(pc) =	sbr.rel .LBB2_39-.Ltmp31, $2  }
0x17a: {  	_ =	sdelay $0x2  }
0x17b: {  	v7 =	vmovc v9;
	v10 =	vmovc v3;
	v12 =	vmov v2;
	v15 =	vmov v13;
	v9 =	vmov v14  }
.LBB2_41:
0x17c: {  	p0 =	slt.s32 s21, $0xC3;
	s2 =	smov.u32 s21  }
0x17d: {  	s2 =	simm.s32 @!p0 $0xC3  }
0x17e: {  	v3 =	vimm.s32 $0x7FFFFFFF;
	v2 =	vimm.s32 $0x7FFFFFFF;
	p0 =	slt.s32 s21, $0xC4;
	s2 =	sshll.u32 s2, $0x6  }
.LBB2_42:
0x17f: {  	_ =	sdelay $0x2  }
0x180: {  	s2 =	sshra.s32 s2, $0x2  }
0x181: {  	v5 =	vld.idx.msk [tilespmem:v0+s2+$0x0 ss:$0x1], $0xffff  }
0x182: {  	v6 =	vld.idx.msk [tilespmem:v0+s2+$0x1 ss:$0x1], $0xffff;
	_ =	sdelay $0x4  }
0x183: {  	p1 =	slt.s32 s0, s23;
	s2 =	smov.u32 s23;
	vm0 =	vlt.s32 v5, v1;
	vm1 =	vlt.s32 v6, v1  }
0x184: {  	s2 =	smov.u32 @p1 s0;
	v5 =	vsel vm0, v5, v1;
	v6 =	vsel vm1, v6, v1  }
0x185: {  	vm0 =	vgt.s32 v5, v4;
	vm1 =	vlt.s32 v6, s2  }
0x186: {  	v5 =	vsel vm0, v5, v4;
	v6 =	vnsel vm1, s2, v6  }
0x187: {  	v6 =	vpsel p0, v6, v5  }
0x188: {  	v7 =	vsub.s32 v6, v5  }
0x189: {  	vm15 =	vgt.s32 v7, $0x0  }
0x18a: {  	v7 =	vnsel vm15, $0x0, v7  }
0x18b: {  	v7 =	vor.u32 $0x80000000, v7  }
0x18c: {  	(xrf0) =	vmax.scan.msk.u32 $0xffff, v7;
	_ =	sdelay $0x5  }
0x18d: {  	v7, _, _ =	vpop (xrf0)  }
0x18e: {  	(v2sf) =	vpush v7, $0xF;
	_ =	sdelay $0xe  }
0x18f: {  	s25 =	spop (v2sf)  }
0x190: {  	s0 =	sxor.u32 $0x80000000, s25  }
0x191: {  	p0 =	slt.s32 s0, $0x1  }
.Ltmp32:
0x192: {  	_ = 	snop;
	(pc) =	sbr.rel @p0 .LBB2_52-.Ltmp32, $2  }
0x193: {  	_ =	sdelay $0x2  }
0x194: {  	s2 =	simm.s32 $0x0  }
0x195: {  	p2 =	sne.s32 s0, $0x1  }
.Ltmp33:
0x196: {  	_ = 	snop;
	(pc) =	sbr.rel @!p2 .LBB2_44-.Ltmp33, $4  }
0x197: {  	_ = 	snop  }
0x198: {  	v7 =	vadd.s32 s2, v5  }
0x199: {  	vm0 =	vlt.s32 v7, v6;
	v7 =	vsub.s32 v7, v4  }
0x19a: {  	s2 =	simm.s32 $0x1;
	p0 =	por $0x0, $0x0;
	p1 =	por $0x0, $0x0;
	v7 =	vnsel vm0, $0x0, v7  }
0x19b: {  	_ =	sdelay $0x1  }
0x19c: {  	v8 =	vadd.s32 s2, v5;
	p2 =	sne.s32 s0, $0x2  }
.Ltmp34:
0x19d: {  	vm1 =	vmmov vm0;
	vm0 =	vlt.s32 v8, v6;
	v8 =	vsub.s32 v8, v4;
	(pc) =	sbr.rel @!p2 .LBB2_46-.Ltmp34, $2  }
0x19e: {  	v13 =	vnsel vm0, $0x0, v8;
	v8 =	vld.idx.msk [tilespmem:v7+s16+$0x0], $0xffff;
	_ =	sdelay $0x2  }
0x19f: {  	v14 =	vld.idx.msk [tilespmem:v7+s18+$0x0], $0xffff;
	s2 =	simm.s32 $0x2;
	p0 =	por $0x1, $0x1;
	vm1 =	vmmov vm1  }
0x1a0: {  	p2 =	sne.s32 s0, $0x3  }
.Ltmp35:
0x1a1: {  	_ = 	snop;
	(pc) =	sbr.rel @!p2 .LBB2_48-.Ltmp35, $4  }
0x1a2: {  	_ = 	snop  }
0x1a3: {  	vm3 =	vmmov vm0;
	v7 =	vadd.s32 s2, v5  }
0x1a4: {  	v12 =	vld.idx.msk [tilespmem:v13+s18+$0x0], $0xffff;
	vm0 =	vlt.s32 v7, v6;
	v7 =	vsub.s32 v7, v4;
	v10 =	vnsel vm1, $0x7FFFFFFF, v14  }
0x1a5: {  	s2 =	simm.s32 $0x3;
	v13 =	vld.idx.msk [tilespmem:v13+s16+$0x0], $0xffff;
	p1 =	por $0x1, $0x1;
	v9 =	vmovc v3;
	v11 =	vmovc v2;
	v7 =	vnsel vm0, $0x0, v7;
	vm1 =	vmmov vm3;
	vm2 =	vlt.s32 v10, v3  }
.LBB2_49:
0x1a6: {  	s6 =	smov.u32 s2;
	s2 =	sadd.s32 $0x1, s2  }
0x1a7: {  	v9 =	vsel vm2, v10, v9;
	v11 =	vsel vm2, v8, v11;
	vm3 =	vmmov vm0;
	p2 =	sne.s32 s0, s2  }
.Ltmp36:
0x1a8: {  	(pc) =	sbr.rel @p2 .LBB2_49-.Ltmp36, $4  }
0x1a9: {  	_ = 	snop  }
0x1aa: {  	v15 =	vadd.s32 s6, v5  }
0x1ab: {  	vm0 =	vlt.s32 v15, v6;
	v14 =	vsub.s32 v15, v4;
	v10 =	vnsel vm1, $0x7FFFFFFF, v12;
	v12 =	vld.idx.msk [tilespmem:v7+s18+$0x0], $0xffff  }
0x1ac: {  	vm1 =	vmmov vm3;
	vm2 =	vlt.s32 v10, v9;
	v8 =	vmovc v13;
	v13 =	vld.idx.msk [tilespmem:v7+s16+$0x0], $0xffff;
	v7 =	vnsel vm0, $0x0, v14  }
.Ltmp37:
0x1ad: {  	_ = 	snop;
	(pc) =	sbr.rel .LBB2_51-.Ltmp37, $2  }
0x1ae: {  	_ =	sdelay $0x2  }
0x1af: {  	v4 =	vmov v8;
	v14 =	vmov v12;
	v8 =	vmov v13  }
.LBB2_20:
.Ltmp38:
0x1b0: {  	(pc) =	sbr.rel .LBB2_27-.Ltmp38, $2  }
0x1b1: {  	_ =	sdelay $0x2  }
0x1b2: {  	v9 =	vmov v3;
	v11 =	vmov v2  }
.LBB2_22:
.Ltmp39:
0x1b3: {  	(pc) =	sbr.rel .LBB2_27-.Ltmp39, $2  }
0x1b4: {  	_ =	sdelay $0x2  }
0x1b5: {  	v9 =	vmov v3;
	v11 =	vmov v2;
	v7 =	vmov v13  }
.LBB2_46:
.Ltmp40:
0x1b6: {  	(pc) =	sbr.rel .LBB2_51-.Ltmp40, $2  }
0x1b7: {  	_ =	sdelay $0x2  }
0x1b8: {  	v9 =	vmov v3;
	v11 =	vmov v2;
	v7 =	vmov v13  }
.LBB2_24:
.Ltmp41:
0x1b9: {  	_ = 	snop;
	(pc) =	sbr.rel .LBB2_27-.Ltmp41, $2  }
0x1ba: {  	_ =	sdelay $0x2  }
0x1bb: {  	v4 =	vmovc v8;
	v9 =	vmovc v3;
	v11 =	vmov v2;
	v14 =	vmov v12;
	v8 =	vmov v13  }
.LBB2_48:
.Ltmp42:
0x1bc: {  	_ = 	snop;
	(pc) =	sbr.rel .LBB2_51-.Ltmp42, $2  }
0x1bd: {  	_ =	sdelay $0x2  }
0x1be: {  	v4 =	vmovc v8;
	v9 =	vmovc v3;
	v11 =	vmov v2;
	v14 =	vmov v12;
	v8 =	vmov v13  }
.LBB2_54:
0x1bf: {  	_ =	sfence.sel $0x180000  }
0x1c0: {  	[bflag:$0x0] =	sbarrier.arrive $0xFFFF  }
0x1c1: {  	_ =	strace $0x90000047  }
0x1c2: {  	s0 =	stileid.u32;
	[bflag:$0x2] =	sbarrier.arrive $0xFFFF  }
0x1c3: {  	p0 =	sne.s32 s0, $0x0;
	s0 =	rddreg [dreg:$0x4]  }
0x1c4: {  	s0 =	sadd.s32 @!p0 $0x100000, s0  }
0x1c5: {  	[sflag:s0] =	ssyncadd.tile.s32 @!p0 $0x1;
	_ =	shalt  }
.Lfunc_end2:
_tile_overlayer_lowered:
.L_overlay_start_2:
0x1c6: {  	(tag) =	ssettag $0x2  }
0x1c7: {  	s0 =	rddreg [dreg:$0x0];
	s2 =	stileid.u32  }
0x1c8: {  	s1 =	rddreg [dreg:$0x1];
	p0 =	sne.s32 s2, $0x0  }
0x1c9: {  	s3 =	rddreg [dreg:$0x2];
	[bflag:$0x3] =	sbarrier.arrive $0xFFFF;
	s2 =	simm.s32 @!p0 $0x1C05  }
0x1ca: {  	[timem:s3], [sflag:s2] =	dma.local @!p0 [hbm:s0], s1  }
0x1cb: {  	s0 =	simm.s32 @!p0 $0x5  }
0x1cc: {  	_ =	swait.ge @!p0 [sflag:s0], s1  }
0x1cd: {  	s1 =	ssub.s32 @!p0 $0x0, s1;
	[sflag:s0] =	ssyncset.done @!p0 $0x0  }
0x1ce: {  	[sflag:s0] =	ssyncadd.s32 @!p0 s1  }
0x1cf: {  	[bflag:$0x3] =	sbarrier.arrive $0xFFFF  }
0x1d0: {  	_ =	shalt  }

</sc_bundles>
